<compile_context>
chip_gen: v7x
topology: tpu7x:2x2x1
jax: 0.10.2.dev20260603
libtpu: 0.0.44.dev20260713+nightly
codegen_flags: <defaults>
</compile_context>

<pallas_src>
import functools

import jax
import jax.numpy as jnp
from jax import lax
from jax.experimental import pallas as pl
from jax.experimental.pallas import tpu as pltpu
from jax.experimental.pallas import tpu_sc as plsc

B, H, W_IN, C = 1, 256, 256, 96
KS = 2
N = B * H * W_IN * C
OUT = (H * KS) * (W_IN * KS) * C
NC, NS, L = 2, 16, 16
NWIN = 32
WIN = OUT // NWIN
PASSES = NWIN // NC
CHUNK = 8192
SHARE = N // NS
NCHUNK = SHARE // CHUNK
NPAIR = NCHUNK // 2
WSLICE = WIN // NS


def _unpool_sc(packed_ext):
    mesh = plsc.VectorSubcoreMesh(core_axis_name="c", subcore_axis_name="s")

    @functools.partial(
        pl.kernel,
        mesh=mesh,
        out_type=jax.ShapeDtypeStruct((OUT,), jnp.float32),
        scratch_types=[
            pltpu.VMEM((2 * CHUNK,), jnp.float32),
            pltpu.VMEM((2 * CHUNK,), jnp.float32),
            pltpu.VMEM((CHUNK,), jnp.int32),
            pltpu.VMEM((CHUNK,), jnp.int32),
            pltpu.VMEM((CHUNK,), jnp.float32),
            pltpu.VMEM((CHUNK,), jnp.float32),
            pltpu.VMEM_SHARED((WIN,), jnp.float32),
            pltpu.SemaphoreType.DMA,
            pltpu.SemaphoreType.DMA,
            pltpu.SemaphoreType.DMA,
            pltpu.SemaphoreType.DMA,
        ],
    )
    def k(pk_hbm, out_hbm,
          pb0, pb1, si0, si1, sv0, sv1, win_sh,
          lsem0, lsem1, ssem0, ssem1):
        c = lax.axis_index("c")
        s = lax.axis_index("s")
        lanes = lax.iota(jnp.int32, L)
        pb = (pb0, pb1)
        sib = (si0, si1)
        svb = (sv0, sv1)
        lsem = (lsem0, lsem1)
        ssem = (ssem0, ssem1)

        def start_load(kk, b):
            base = (s * NCHUNK + kk) * (2 * CHUNK)
            pltpu.async_copy(pk_hbm.at[pl.ds(base, 2 * CHUNK)], pb[b], lsem[b])

        def wait_load(kk, b):
            base = (s * NCHUNK + kk) * (2 * CHUNK)
            pltpu.make_async_copy(pk_hbm.at[pl.ds(base, 2 * CHUNK)],
                                  pb[b], lsem[b]).wait()

        def start_scat(b):
            pltpu.async_copy(svb[b], win_sh.at[sib[b]], ssem[b], add=True)

        def wait_scat(b):
            pltpu.make_async_copy(svb[b], win_sh.at[sib[b]], ssem[b]).wait()

        def do_pass(p, carry):
            lo = (p * NC + c) * WIN

            pltpu.sync_copy(pk_hbm.at[pl.ds(2 * N, WSLICE)],
                            win_sh.at[pl.ds(s * WSLICE, WSLICE)])
            plsc.subcore_barrier()

            start_load(0, 0)
            start_load(1, 1)

            def do_chunk(kk2, cy):
                for b in (0, 1):
                    kk = kk2 * 2 + b
                    wait_load(kk, b)

                    @pl.when(kk >= 2)
                    def _():
                        wait_scat(b)

                    ib = pb[b]
                    si = sib[b]
                    sv = svb[b]

                    def vec(i, cz):
                        o = i * L
                        rel = jax.lax.bitcast_convert_type(ib[pl.ds(o, L)], jnp.int32) - lo
                        vv = ib[pl.ds(CHUNK + o, L)]
                        ok = (rel >= 0) & (rel < WIN)
                        pad = (s * CHUNK + o) + lanes
                        si[pl.ds(o, L)] = jnp.where(ok, rel, pad)
                        sv[pl.ds(o, L)] = jnp.where(ok, vv, 0.0)
                        return cz
                    lax.fori_loop(0, CHUNK // L, vec, None)

                    @pl.when(kk + 2 < NCHUNK)
                    def _():
                        start_load(kk + 2, b)
                    start_scat(b)
                return cy
            lax.fori_loop(0, NPAIR, do_chunk, None)
            wait_scat(0)
            wait_scat(1)
            plsc.subcore_barrier()

            o = s * WSLICE
            pltpu.sync_copy(win_sh.at[pl.ds(o, WSLICE)],
                            out_hbm.at[pl.ds(lo + o, WSLICE)])
            plsc.subcore_barrier()
            return carry
        lax.fori_loop(0, PASSES, do_pass, None)

    return k(packed_ext)


def kernel(pool, ind, k_size):
    pool_flat = pool.reshape(N)
    ind_flat = ind.reshape(N) + (jnp.asarray(k_size, jnp.int32) - KS)
    ind_f = jax.lax.bitcast_convert_type(ind_flat, jnp.float32)
    packed = jnp.stack([ind_f.reshape(-1, CHUNK),
                        pool_flat.reshape(-1, CHUNK)], axis=1).reshape(-1)
    packed_ext = jnp.concatenate([packed, jnp.zeros((WSLICE,), jnp.float32)])
    out = _unpool_sc(packed_ext)
    return out.reshape(B, H * KS, W_IN * KS, C)

# --- scband reference (transcript-rebuilt; emitter-appended) ---
"""Pipeline reference for scband-custom-un-pool-38792144617865 (READ-ONLY COPY).

The authoritative reference and input builder live on the scoring server;
editing this copy changes nothing except your own understanding.
"""

import jax, jax.numpy as jnp
import numpy as np

B, H, W, C = 1, 256, 256, 96
K = 2

def setup_inputs(seed: int = 0) -> dict:
    key = jax.random.key(seed)
    k1, k2 = jax.random.split(key)
    pool = jax.random.normal(k1, (B, H, W, C), dtype=jnp.float32)
    # argmax-style flattened indices into the unpooled (H*K, W*K, C) volume, per batch element
    ind = jax.random.randint(k2, (B, H, W, C), 0, (H * K) * (W * K) * C, dtype=jnp.int32)
    return {"pool": pool, "ind": ind, "k_size": K}


def reference(pool, ind, k_size):
    # Faithful JAX translation of CustomUnPool.call (tf.scatter_nd -> .at[].add)
    b, h, w, c = pool.shape
    ho, wo = h * K, w * K
    pool_flat = pool.reshape(b, h * w * c)
    ind_flat = ind.reshape(b, h * w * c)
    ind_flat = ind_flat + (jnp.asarray(k_size, dtype=ind_flat.dtype) - K)
    batch_idx = jnp.broadcast_to(jnp.arange(b, dtype=ind_flat.dtype)[:, None], ind_flat.shape)
    out = jnp.zeros((b, ho * wo * c), dtype=pool.dtype)
    # tf.scatter_nd accumulates on duplicate indices -> .add
    out = out.at[batch_idx, ind_flat].add(pool_flat)
    return out.reshape(b, ho, wo, c)

if __name__ == "__main__":
    import jax
    _d = setup_inputs()
    print(jax.jit(kernel)(*tuple(_d.values())))

</pallas_src>

<mosaic_0001>
#map = affine_map<(d0, d1) -> (0)>
module attributes {stable_mosaic.version = 14 : i64} {
  func.func @k(%arg0: i32, %arg1: i32, %arg2: memref<12632064xf32, #tpu.memory_space<hbm>>, %arg3: memref<25165824xf32, #tpu.memory_space<hbm>>, %arg4: memref<16384xf32, #tpu.memory_space<vmem>>, %arg5: memref<16384xf32, #tpu.memory_space<vmem>>, %arg6: memref<8192xi32, #tpu.memory_space<vmem>>, %arg7: memref<8192xi32, #tpu.memory_space<vmem>>, %arg8: memref<8192xf32, #tpu.memory_space<vmem>>, %arg9: memref<8192xf32, #tpu.memory_space<vmem>>, %arg10: memref<786432xf32, #tpu.memory_space<vmem_shared>>, %arg11: memref<!tpu.dma_semaphore, #tpu.memory_space<semaphore_mem>>, %arg12: memref<!tpu.dma_semaphore, #tpu.memory_space<semaphore_mem>>, %arg13: memref<!tpu.dma_semaphore, #tpu.memory_space<semaphore_mem>>, %arg14: memref<!tpu.dma_semaphore, #tpu.memory_space<semaphore_mem>>) attributes {dimension_semantics = [#tpu.dimension_semantics<core_parallel>, #tpu.dimension_semantics<subcore_parallel>], iteration_bounds = array<i64: 2, 16>, scalar_prefetch = 0 : i64, scratch_operands = 11 : i64, tpu.core_type = #tpu.core_type<sc_vector_subcore>, window_params = [{transform_indices = #map}, {transform_indices = #map}]} {
    %iota3A = tpu.iota {dimensions = array<i32: 0>} : vector<16xi32>
    %scan3A = arith.constant 0 : i32
    %scan3A_0 = arith.constant 16 : i32
    %scan3A_1 = arith.addi %scan3A, %scan3A_0 : i32
    %scan3A_2 = arith.constant 1 : i32
    scf.for %scan3A_4 = %scan3A to %scan3A_1 step %scan3A_2  : i32 {
      %mul3A = arith.constant 2 : i32
      %mul3A_5 = arith.muli %scan3A_4, %mul3A : i32
      %add3A = arith.addi %mul3A_5, %arg0 : i32
      %mul3A_6 = arith.constant 786432 : i32
      %mul3A_7 = arith.muli %add3A, %mul3A_6 : i32
      %mul3A_8 = arith.constant 49152 : i32
      %mul3A_9 = arith.muli %arg1, %mul3A_8 : i32
      "tpu.region"() ({
        %run_scoped3A = tpu.sem_alloc : memref<!tpu.dma_semaphore, #tpu.memory_space<semaphore_mem>>
        %dma_start3A_38 = tpu.memref_slice %arg10[%mul3A_9] : memref<786432xf32, #tpu.memory_space<vmem_shared>> -> memref<49152xf32, #tpu.memory_space<vmem_shared>>
        %dma_start3A_39 = arith.constant 12582912 : i32
        %dma_start3A_40 = tpu.memref_slice %arg2[%dma_start3A_39] : memref<12632064xf32, #tpu.memory_space<hbm>> -> memref<49152xf32, #tpu.memory_space<hbm>>
        tpu.enqueue_dma source(%dma_start3A_40 : memref<49152xf32, #tpu.memory_space<hbm>>) target(%dma_start3A_38 : memref<49152xf32, #tpu.memory_space<vmem_shared>>) target_semaphore(%run_scoped3A : memref<!tpu.dma_semaphore, #tpu.memory_space<semaphore_mem>>)
        %dma_wait3A_41 = tpu.memref_slice %arg10[%mul3A_9] : memref<786432xf32, #tpu.memory_space<vmem_shared>> -> memref<49152xf32, #tpu.memory_space<vmem_shared>>
        %dma_wait3A_42 = arith.constant 12582912 : i32
        %dma_wait3A_43 = tpu.memref_slice %arg2[%dma_wait3A_42] : memref<12632064xf32, #tpu.memory_space<hbm>> -> memref<49152xf32, #tpu.memory_space<hbm>>
        tpu.wait_dma2 semaphore(%run_scoped3A : memref<!tpu.dma_semaphore, #tpu.memory_space<semaphore_mem>>) src(%dma_wait3A_43 : memref<49152xf32, #tpu.memory_space<hbm>>) dst(%dma_wait3A_41 : memref<49152xf32, #tpu.memory_space<vmem_shared>>)
        tpu.yield
      }) : () -> ()
      %barrier3A = arith.constant 0 : index
      tpu.barrier barrier_id(%barrier3A)
      %mul3A_10 = arith.constant 48 : i32
      %mul3A_11 = arith.muli %arg1, %mul3A_10 : i32
      %add3A_12 = arith.constant 0 : i32
      %add3A_13 = arith.addi %mul3A_11, %add3A_12 : i32
      %mul3A_14 = arith.constant 16384 : i32
      %mul3A_15 = arith.muli %add3A_13, %mul3A_14 : i32
      %dma_start3A = tpu.memref_slice %arg2[%mul3A_15] : memref<12632064xf32, #tpu.memory_space<hbm>> -> memref<16384xf32, #tpu.memory_space<hbm>>
      %dma_start3A_16 = tpu.memref_slice %arg2[%mul3A_15] : memref<12632064xf32, #tpu.memory_space<hbm>> -> memref<16384xf32, #tpu.memory_space<hbm>>
      tpu.enqueue_dma source(%dma_start3A_16 : memref<16384xf32, #tpu.memory_space<hbm>>) target(%arg4 : memref<16384xf32, #tpu.memory_space<vmem>>) target_semaphore(%arg11 : memref<!tpu.dma_semaphore, #tpu.memory_space<semaphore_mem>>)
      %mul3A_17 = arith.constant 48 : i32
      %mul3A_18 = arith.muli %arg1, %mul3A_17 : i32
      %add3A_19 = arith.constant 1 : i32
      %add3A_20 = arith.addi %mul3A_18, %add3A_19 : i32
      %mul3A_21 = arith.constant 16384 : i32
      %mul3A_22 = arith.muli %add3A_20, %mul3A_21 : i32
      %dma_start3A_23 = tpu.memref_slice %arg2[%mul3A_22] : memref<12632064xf32, #tpu.memory_space<hbm>> -> memref<16384xf32, #tpu.memory_space<hbm>>
      %dma_start3A_24 = tpu.memref_slice %arg2[%mul3A_22] : memref<12632064xf32, #tpu.memory_space<hbm>> -> memref<16384xf32, #tpu.memory_space<hbm>>
      tpu.enqueue_dma source(%dma_start3A_24 : memref<16384xf32, #tpu.memory_space<hbm>>) target(%arg5 : memref<16384xf32, #tpu.memory_space<vmem>>) target_semaphore(%arg12 : memref<!tpu.dma_semaphore, #tpu.memory_space<semaphore_mem>>)
      %scan3A_25 = arith.constant 0 : i32
      %scan3A_26 = arith.constant 24 : i32
      %scan3A_27 = arith.addi %scan3A_25, %scan3A_26 : i32
      %scan3A_28 = arith.constant 1 : i32
      scf.for %scan3A_38 = %scan3A_25 to %scan3A_27 step %scan3A_28  : i32 {
        %mul3A_39 = arith.constant 2 : i32
        %mul3A_40 = arith.muli %scan3A_38, %mul3A_39 : i32
        %add3A_41 = arith.constant 0 : i32
        %add3A_42 = arith.addi %mul3A_40, %add3A_41 : i32
        %mul3A_43 = arith.constant 48 : i32
        %mul3A_44 = arith.muli %arg1, %mul3A_43 : i32
        %add3A_45 = arith.addi %mul3A_44, %add3A_42 : i32
        %mul3A_46 = arith.constant 16384 : i32
        %mul3A_47 = arith.muli %add3A_45, %mul3A_46 : i32
        %dma_wait3A_48 = tpu.memref_slice %arg2[%mul3A_47] : memref<12632064xf32, #tpu.memory_space<hbm>> -> memref<16384xf32, #tpu.memory_space<hbm>>
        %dma_wait3A_49 = tpu.memref_slice %arg2[%mul3A_47] : memref<12632064xf32, #tpu.memory_space<hbm>> -> memref<16384xf32, #tpu.memory_space<hbm>>
        tpu.wait_dma2 semaphore(%arg11 : memref<!tpu.dma_semaphore, #tpu.memory_space<semaphore_mem>>) src(%dma_wait3A_49 : memref<16384xf32, #tpu.memory_space<hbm>>) dst(%arg4 : memref<16384xf32, #tpu.memory_space<vmem>>)
        %ge3A = arith.constant 2 : i32
        %ge3A_50 = arith.cmpi sge, %add3A_42, %ge3A : i32
        %convert_element_type3A = arith.extui %ge3A_50 : i1 to i32
        %cond3A = arith.constant 0 : i32
        %cond3A_51 = arith.cmpi ne, %convert_element_type3A, %cond3A : i32
        scf.if %cond3A_51 {
          %dma_wait3A_95 = arith.constant 0 : i32
          %dma_wait3A_96 = tpu.memref_slice %arg10[%dma_wait3A_95] : memref<786432xf32, #tpu.memory_space<vmem_shared>> -> memref<786432xf32, #tpu.memory_space<vmem_shared>>
          tpu.wait_indirect_dma semaphore(%arg13 : memref<!tpu.dma_semaphore, #tpu.memory_space<semaphore_mem>>) src(%arg8 : memref<8192xf32, #tpu.memory_space<vmem>>) dst(%dma_wait3A_96 : memref<786432xf32, #tpu.memory_space<vmem_shared>>)
        } else {
        }
        %scan3A_52 = arith.constant 0 : i32
        %scan3A_53 = arith.constant 512 : i32
        %scan3A_54 = arith.addi %scan3A_52, %scan3A_53 : i32
        %scan3A_55 = arith.constant 1 : i32
        scf.for %scan3A_95 = %scan3A_52 to %scan3A_54 step %scan3A_55  : i32 {
          %mul3A_96 = arith.constant 16 : i32
          %mul3A_97 = arith.muli %scan3A_95, %mul3A_96 : i32
          %get3A = arith.index_cast %mul3A_97 : i32 to index
          %get3A_98 = tpu.vector_load %arg4[%get3A] {strides = array<i32>} : memref<16384xf32, #tpu.memory_space<vmem>>, vector<16xf32>,
          %get3A_99 = vector.shape_cast %get3A_98 : vector<16xf32> to vector<16xf32>
          %bitcast_convert_type3A = tpu.bitcast %get3A_99 : vector<16xf32> -> vector<16xi32>
          %sub3A = vector.broadcast %mul3A_7 : i32 to vector<16xi32>
          %sub3A_100 = arith.subi %bitcast_convert_type3A, %sub3A : vector<16xi32>
          %add3A_101 = arith.constant 8192 : i32
          %add3A_102 = arith.addi %add3A_101, %mul3A_97 : i32
          %get3A_103 = arith.index_cast %add3A_102 : i32 to index
          %get3A_104 = tpu.vector_load %arg4[%get3A_103] {strides = array<i32>} : memref<16384xf32, #tpu.memory_space<vmem>>, vector<16xf32>,
          %get3A_105 = vector.shape_cast %get3A_104 : vector<16xf32> to vector<16xf32>
          %ge3A_106 = arith.constant 0 : i32
          %ge3A_107 = vector.broadcast %ge3A_106 : i32 to vector<16xi32>
          %ge3A_108 = arith.cmpi sge, %sub3A_100, %ge3A_107 : vector<16xi32>
          %lt3A_109 = arith.constant 786432 : i32
          %lt3A_110 = vector.broadcast %lt3A_109 : i32 to vector<16xi32>
          %lt3A_111 = arith.cmpi slt, %sub3A_100, %lt3A_110 : vector<16xi32>
          %and3A = arith.andi %ge3A_108, %lt3A_111 : vector<16xi1>
          %mul3A_112 = arith.constant 8192 : i32
          %mul3A_113 = arith.muli %arg1, %mul3A_112 : i32
          %add3A_114 = arith.addi %mul3A_113, %mul3A_97 : i32
          %add3A_115 = vector.broadcast %add3A_114 : i32 to vector<16xi32>
          %add3A_116 = arith.addi %add3A_115, %iota3A : vector<16xi32>
          %select_n3A = arith.select %and3A, %sub3A_100, %add3A_116 : vector<16xi1>, vector<16xi32>
          %swap3A = arith.index_cast %mul3A_97 : i32 to index
          %swap3A_117 = tpu.vector_load %arg6[%swap3A] {strides = array<i32>} : memref<8192xi32, #tpu.memory_space<vmem>>, vector<16xi32>,
          %swap3A_118 = vector.shape_cast %swap3A_117 : vector<16xi32> to vector<16xi32>
          %swap3A_119 = vector.shape_cast %select_n3A : vector<16xi32> to vector<16xi32>
          tpu.vector_store %arg6[%swap3A], %swap3A_119 {strides = array<i32>} : memref<8192xi32, #tpu.memory_space<vmem>>, vector<16xi32>,
          %jit3A = arith.constant 0.000000e+00 : f32
          %broadcast_in_dim3A = vector.broadcast %jit3A : f32 to vector<16xf32>
          %select_n3A_120 = arith.select %and3A, %get3A_105, %broadcast_in_dim3A : vector<16xi1>, vector<16xf32>
          %swap3A_121 = arith.index_cast %mul3A_97 : i32 to index
          %swap3A_122 = tpu.vector_load %arg8[%swap3A_121] {strides = array<i32>} : memref<8192xf32, #tpu.memory_space<vmem>>, vector<16xf32>,
          %swap3A_123 = vector.shape_cast %swap3A_122 : vector<16xf32> to vector<16xf32>
          %swap3A_124 = vector.shape_cast %select_n3A_120 : vector<16xf32> to vector<16xf32>
          tpu.vector_store %arg8[%swap3A_121], %swap3A_124 {strides = array<i32>} : memref<8192xf32, #tpu.memory_space<vmem>>, vector<16xf32>,
        }
        %scan3A_56 = arith.constant 512 : i32
        %add3A_57 = arith.constant 2 : i32
        %add3A_58 = arith.addi %add3A_42, %add3A_57 : i32
        %lt3A = arith.constant 48 : i32
        %lt3A_59 = arith.cmpi slt, %add3A_58, %lt3A : i32
        %convert_element_type3A_60 = arith.extui %lt3A_59 : i1 to i32
        %cond3A_61 = arith.constant 0 : i32
        %cond3A_62 = arith.cmpi ne, %convert_element_type3A_60, %cond3A_61 : i32
        scf.if %cond3A_62 {
          %add3A_95 = arith.constant 2 : i32
          %add3A_96 = arith.addi %add3A_42, %add3A_95 : i32
          %mul3A_97 = arith.constant 48 : i32
          %mul3A_98 = arith.muli %arg1, %mul3A_97 : i32
          %add3A_99 = arith.addi %mul3A_98, %add3A_96 : i32
          %mul3A_100 = arith.constant 16384 : i32
          %mul3A_101 = arith.muli %add3A_99, %mul3A_100 : i32
          %dma_start3A_102 = tpu.memref_slice %arg2[%mul3A_101] : memref<12632064xf32, #tpu.memory_space<hbm>> -> memref<16384xf32, #tpu.memory_space<hbm>>
          %dma_start3A_103 = tpu.memref_slice %arg2[%mul3A_101] : memref<12632064xf32, #tpu.memory_space<hbm>> -> memref<16384xf32, #tpu.memory_space<hbm>>
          tpu.enqueue_dma source(%dma_start3A_103 : memref<16384xf32, #tpu.memory_space<hbm>>) target(%arg4 : memref<16384xf32, #tpu.memory_space<vmem>>) target_semaphore(%arg11 : memref<!tpu.dma_semaphore, #tpu.memory_space<semaphore_mem>>)
        } else {
        }
        %dma_start3A_63 = arith.constant 0 : i32
        %dma_start3A_64 = tpu.memref_slice %arg10[%dma_start3A_63] : memref<786432xf32, #tpu.memory_space<vmem_shared>> -> memref<786432xf32, #tpu.memory_space<vmem_shared>>
        tpu.enqueue_indirect_dma source(%arg8 : memref<8192xf32, #tpu.memory_space<vmem>>) target(%dma_start3A_64 : memref<786432xf32, #tpu.memory_space<vmem_shared>>) offsets(%arg6 : memref<8192xi32, #tpu.memory_space<vmem>>) semaphore(%arg13 : memref<!tpu.dma_semaphore, #tpu.memory_space<semaphore_mem>>) {add = true}
        %mul3A_65 = arith.constant 2 : i32
        %mul3A_66 = arith.muli %scan3A_38, %mul3A_65 : i32
        %add3A_67 = arith.constant 1 : i32
        %add3A_68 = arith.addi %mul3A_66, %add3A_67 : i32
        %mul3A_69 = arith.constant 48 : i32
        %mul3A_70 = arith.muli %arg1, %mul3A_69 : i32
        %add3A_71 = arith.addi %mul3A_70, %add3A_68 : i32
        %mul3A_72 = arith.constant 16384 : i32
        %mul3A_73 = arith.muli %add3A_71, %mul3A_72 : i32
        %dma_wait3A_74 = tpu.memref_slice %arg2[%mul3A_73] : memref<12632064xf32, #tpu.memory_space<hbm>> -> memref<16384xf32, #tpu.memory_space<hbm>>
        %dma_wait3A_75 = tpu.memref_slice %arg2[%mul3A_73] : memref<12632064xf32, #tpu.memory_space<hbm>> -> memref<16384xf32, #tpu.memory_space<hbm>>
        tpu.wait_dma2 semaphore(%arg12 : memref<!tpu.dma_semaphore, #tpu.memory_space<semaphore_mem>>) src(%dma_wait3A_75 : memref<16384xf32, #tpu.memory_space<hbm>>) dst(%arg5 : memref<16384xf32, #tpu.memory_space<vmem>>)
        %ge3A_76 = arith.constant 2 : i32
        %ge3A_77 = arith.cmpi sge, %add3A_68, %ge3A_76 : i32
        %convert_element_type3A_78 = arith.extui %ge3A_77 : i1 to i32
        %cond3A_79 = arith.constant 0 : i32
        %cond3A_80 = arith.cmpi ne, %convert_element_type3A_78, %cond3A_79 : i32
        scf.if %cond3A_80 {
          %dma_wait3A_95 = arith.constant 0 : i32
          %dma_wait3A_96 = tpu.memref_slice %arg10[%dma_wait3A_95] : memref<786432xf32, #tpu.memory_space<vmem_shared>> -> memref<786432xf32, #tpu.memory_space<vmem_shared>>
          tpu.wait_indirect_dma semaphore(%arg14 : memref<!tpu.dma_semaphore, #tpu.memory_space<semaphore_mem>>) src(%arg9 : memref<8192xf32, #tpu.memory_space<vmem>>) dst(%dma_wait3A_96 : memref<786432xf32, #tpu.memory_space<vmem_shared>>)
        } else {
        }
        %scan3A_81 = arith.constant 0 : i32
        %scan3A_82 = arith.constant 512 : i32
        %scan3A_83 = arith.addi %scan3A_81, %scan3A_82 : i32
        %scan3A_84 = arith.constant 1 : i32
        scf.for %scan3A_95 = %scan3A_81 to %scan3A_83 step %scan3A_84  : i32 {
          %mul3A_96 = arith.constant 16 : i32
          %mul3A_97 = arith.muli %scan3A_95, %mul3A_96 : i32
          %get3A = arith.index_cast %mul3A_97 : i32 to index
          %get3A_98 = tpu.vector_load %arg5[%get3A] {strides = array<i32>} : memref<16384xf32, #tpu.memory_space<vmem>>, vector<16xf32>,
          %get3A_99 = vector.shape_cast %get3A_98 : vector<16xf32> to vector<16xf32>
          %bitcast_convert_type3A = tpu.bitcast %get3A_99 : vector<16xf32> -> vector<16xi32>
          %sub3A = vector.broadcast %mul3A_7 : i32 to vector<16xi32>
          %sub3A_100 = arith.subi %bitcast_convert_type3A, %sub3A : vector<16xi32>
          %add3A_101 = arith.constant 8192 : i32
          %add3A_102 = arith.addi %add3A_101, %mul3A_97 : i32
          %get3A_103 = arith.index_cast %add3A_102 : i32 to index
          %get3A_104 = tpu.vector_load %arg5[%get3A_103] {strides = array<i32>} : memref<16384xf32, #tpu.memory_space<vmem>>, vector<16xf32>,
          %get3A_105 = vector.shape_cast %get3A_104 : vector<16xf32> to vector<16xf32>
          %ge3A_106 = arith.constant 0 : i32
          %ge3A_107 = vector.broadcast %ge3A_106 : i32 to vector<16xi32>
          %ge3A_108 = arith.cmpi sge, %sub3A_100, %ge3A_107 : vector<16xi32>
          %lt3A_109 = arith.constant 786432 : i32
          %lt3A_110 = vector.broadcast %lt3A_109 : i32 to vector<16xi32>
          %lt3A_111 = arith.cmpi slt, %sub3A_100, %lt3A_110 : vector<16xi32>
          %and3A = arith.andi %ge3A_108, %lt3A_111 : vector<16xi1>
          %mul3A_112 = arith.constant 8192 : i32
          %mul3A_113 = arith.muli %arg1, %mul3A_112 : i32
          %add3A_114 = arith.addi %mul3A_113, %mul3A_97 : i32
          %add3A_115 = vector.broadcast %add3A_114 : i32 to vector<16xi32>
          %add3A_116 = arith.addi %add3A_115, %iota3A : vector<16xi32>
          %select_n3A = arith.select %and3A, %sub3A_100, %add3A_116 : vector<16xi1>, vector<16xi32>
          %swap3A = arith.index_cast %mul3A_97 : i32 to index
          %swap3A_117 = tpu.vector_load %arg7[%swap3A] {strides = array<i32>} : memref<8192xi32, #tpu.memory_space<vmem>>, vector<16xi32>,
          %swap3A_118 = vector.shape_cast %swap3A_117 : vector<16xi32> to vector<16xi32>
          %swap3A_119 = vector.shape_cast %select_n3A : vector<16xi32> to vector<16xi32>
          tpu.vector_store %arg7[%swap3A], %swap3A_119 {strides = array<i32>} : memref<8192xi32, #tpu.memory_space<vmem>>, vector<16xi32>,
          %jit3A = arith.constant 0.000000e+00 : f32
          %broadcast_in_dim3A = vector.broadcast %jit3A : f32 to vector<16xf32>
          %select_n3A_120 = arith.select %and3A, %get3A_105, %broadcast_in_dim3A : vector<16xi1>, vector<16xf32>
          %swap3A_121 = arith.index_cast %mul3A_97 : i32 to index
          %swap3A_122 = tpu.vector_load %arg9[%swap3A_121] {strides = array<i32>} : memref<8192xf32, #tpu.memory_space<vmem>>, vector<16xf32>,
          %swap3A_123 = vector.shape_cast %swap3A_122 : vector<16xf32> to vector<16xf32>
          %swap3A_124 = vector.shape_cast %select_n3A_120 : vector<16xf32> to vector<16xf32>
          tpu.vector_store %arg9[%swap3A_121], %swap3A_124 {strides = array<i32>} : memref<8192xf32, #tpu.memory_space<vmem>>, vector<16xf32>,
        }
        %scan3A_85 = arith.constant 512 : i32
        %add3A_86 = arith.constant 2 : i32
        %add3A_87 = arith.addi %add3A_68, %add3A_86 : i32
        %lt3A_88 = arith.constant 48 : i32
        %lt3A_89 = arith.cmpi slt, %add3A_87, %lt3A_88 : i32
        %convert_element_type3A_90 = arith.extui %lt3A_89 : i1 to i32
        %cond3A_91 = arith.constant 0 : i32
        %cond3A_92 = arith.cmpi ne, %convert_element_type3A_90, %cond3A_91 : i32
        scf.if %cond3A_92 {
          %add3A_95 = arith.constant 2 : i32
          %add3A_96 = arith.addi %add3A_68, %add3A_95 : i32
          %mul3A_97 = arith.constant 48 : i32
          %mul3A_98 = arith.muli %arg1, %mul3A_97 : i32
          %add3A_99 = arith.addi %mul3A_98, %add3A_96 : i32
          %mul3A_100 = arith.constant 16384 : i32
          %mul3A_101 = arith.muli %add3A_99, %mul3A_100 : i32
          %dma_start3A_102 = tpu.memref_slice %arg2[%mul3A_101] : memref<12632064xf32, #tpu.memory_space<hbm>> -> memref<16384xf32, #tpu.memory_space<hbm>>
          %dma_start3A_103 = tpu.memref_slice %arg2[%mul3A_101] : memref<12632064xf32, #tpu.memory_space<hbm>> -> memref<16384xf32, #tpu.memory_space<hbm>>
          tpu.enqueue_dma source(%dma_start3A_103 : memref<16384xf32, #tpu.memory_space<hbm>>) target(%arg5 : memref<16384xf32, #tpu.memory_space<vmem>>) target_semaphore(%arg12 : memref<!tpu.dma_semaphore, #tpu.memory_space<semaphore_mem>>)
        } else {
        }
        %dma_start3A_93 = arith.constant 0 : i32
        %dma_start3A_94 = tpu.memref_slice %arg10[%dma_start3A_93] : memref<786432xf32, #tpu.memory_space<vmem_shared>> -> memref<786432xf32, #tpu.memory_space<vmem_shared>>
        tpu.enqueue_indirect_dma source(%arg9 : memref<8192xf32, #tpu.memory_space<vmem>>) target(%dma_start3A_94 : memref<786432xf32, #tpu.memory_space<vmem_shared>>) offsets(%arg7 : memref<8192xi32, #tpu.memory_space<vmem>>) semaphore(%arg14 : memref<!tpu.dma_semaphore, #tpu.memory_space<semaphore_mem>>) {add = true}
      }
      %scan3A_29 = arith.constant 24 : i32
      %dma_wait3A = arith.constant 0 : i32
      %dma_wait3A_30 = tpu.memref_slice %arg10[%dma_wait3A] : memref<786432xf32, #tpu.memory_space<vmem_shared>> -> memref<786432xf32, #tpu.memory_space<vmem_shared>>
      tpu.wait_indirect_dma semaphore(%arg13 : memref<!tpu.dma_semaphore, #tpu.memory_space<semaphore_mem>>) src(%arg8 : memref<8192xf32, #tpu.memory_space<vmem>>) dst(%dma_wait3A_30 : memref<786432xf32, #tpu.memory_space<vmem_shared>>)
      %dma_wait3A_31 = arith.constant 0 : i32
      %dma_wait3A_32 = tpu.memref_slice %arg10[%dma_wait3A_31] : memref<786432xf32, #tpu.memory_space<vmem_shared>> -> memref<786432xf32, #tpu.memory_space<vmem_shared>>
      tpu.wait_indirect_dma semaphore(%arg14 : memref<!tpu.dma_semaphore, #tpu.memory_space<semaphore_mem>>) src(%arg9 : memref<8192xf32, #tpu.memory_space<vmem>>) dst(%dma_wait3A_32 : memref<786432xf32, #tpu.memory_space<vmem_shared>>)
      %barrier3A_33 = arith.constant 0 : index
      tpu.barrier barrier_id(%barrier3A_33)
      %mul3A_34 = arith.constant 49152 : i32
      %mul3A_35 = arith.muli %arg1, %mul3A_34 : i32
      %add3A_36 = arith.addi %mul3A_7, %mul3A_35 : i32
      "tpu.region"() ({
        %run_scoped3A = tpu.sem_alloc : memref<!tpu.dma_semaphore, #tpu.memory_space<semaphore_mem>>
        %dma_start3A_38 = tpu.memref_slice %arg3[%add3A_36] : memref<25165824xf32, #tpu.memory_space<hbm>> -> memref<49152xf32, #tpu.memory_space<hbm>>
        %dma_start3A_39 = tpu.memref_slice %arg10[%mul3A_35] : memref<786432xf32, #tpu.memory_space<vmem_shared>> -> memref<49152xf32, #tpu.memory_space<vmem_shared>>
        tpu.enqueue_dma source(%dma_start3A_39 : memref<49152xf32, #tpu.memory_space<vmem_shared>>) target(%dma_start3A_38 : memref<49152xf32, #tpu.memory_space<hbm>>) target_semaphore(%run_scoped3A : memref<!tpu.dma_semaphore, #tpu.memory_space<semaphore_mem>>)
        %dma_wait3A_40 = tpu.memref_slice %arg3[%add3A_36] : memref<25165824xf32, #tpu.memory_space<hbm>> -> memref<49152xf32, #tpu.memory_space<hbm>>
        %dma_wait3A_41 = tpu.memref_slice %arg10[%mul3A_35] : memref<786432xf32, #tpu.memory_space<vmem_shared>> -> memref<49152xf32, #tpu.memory_space<vmem_shared>>
        tpu.wait_dma2 semaphore(%run_scoped3A : memref<!tpu.dma_semaphore, #tpu.memory_space<semaphore_mem>>) src(%dma_wait3A_41 : memref<49152xf32, #tpu.memory_space<vmem_shared>>) dst(%dma_wait3A_40 : memref<49152xf32, #tpu.memory_space<hbm>>)
        tpu.yield
      }) : () -> ()
      %barrier3A_37 = arith.constant 0 : index
      tpu.barrier barrier_id(%barrier3A_37)
    }
    %scan3A_3 = arith.constant 16 : i32
    return
  }
}

</mosaic_0001>

<sc_bundles>
// kernel: kernel.3.cloned.1.call-start
scs
__scs_entry_jumppad:
0x0: {  	(pc) =	sbr.rel $0x88, $3  }
0x1: {  	(tag) =	ssettag $0x0;
	lr =	simm.s32 $0x1  }
0x2: {  	[smem:$0x3F9E] =	sst lr;
	_ =	strace $0xD0000000  }
0x3: {  	_ = 	snop  }
0x4: {  	_ = 	snop  }
0x5: {  	_ = 	snop  }
0x6: {  	_ = 	snop  }
0x7: {  	_ = 	snop  }
__scs_overlays_trampoline_lowered:
0x8: {  	[smem:$0x3FAD] =	sst s0  }
0x9: {  	[smem:$0x3FAE] =	sst s1  }
0xa: {  	[smem:$0x3FAF] =	sst s2  }
0xb: {  	[smem:$0x3FB0] =	sst s3  }
0xc: {  	[smem:$0x3FB1] =	sst s4  }
0xd: {  	[smem:$0x3FB2] =	sst s5  }
0xe: {  	[smem:$0x3FB3] =	sst s6  }
0xf: {  	[smem:$0x3FB4] =	sst s7  }
0x10: {  	[smem:$0x3FB5] =	sst s8  }
0x11: {  	[smem:$0x3FB6] =	sst s9;
	s0 =	simm.s32 @!p0 $0x0  }
0x12: {  	s1 =	sld [smem:$0x3F9C];
	s0 =	simm.s32 @p0 $0x1  }
0x13: {  	[smem:$0x3FB7] =	sst s0;
	s0 =	simm.s32 @!p1 $0x0  }
0x14: {  	s2 =	sld [smem:$0x3F9B];
	s0 =	simm.s32 @p1 $0x1  }
0x15: {  	[smem:$0x3FB8] =	sst s0;
	s0 =	simm.s32 @!p2 $0x0  }
0x16: {  	s3 =	sld [smem:$0x3FDB];
	s0 =	simm.s32 @p2 $0x1  }
0x17: {  	s4 =	simm.s32 $0x1BF5;
	[smem:$0x3FBA] =	sst s0  }
0x18: {  	s0 =	sld [smem:$0x3F9D];
	_ =	swait.ge [sflag:s4], $0x0  }
0x19: {  	s7 =	sld [smem:$0x3F9E]  }
0x1a: {  	s8 =	sadd.s32 $0xFFFFE003, lr  }
0x1b: {  	s9 =	sadd.s32 $0xFFFFFEF7, lr;
	s5 =	simm.s32 $0xFFFFFFFF;
	p2 =	slt.u32 s8, $0xFFFFF086  }
0x1c: {  	p1 =	slt.u32 s9, $0xF7A;
	s5 =	simm.s32 @!p2 $0x0  }
0x1d: {  	s5 =	simm.s32 @p1 $0x1;
	p0 =	seq.s32 s7, s2  }
0x1e: {  	s7 =	smul.u32 @!p0 $0xF7A, s2;
	p2 =	seq.s32 @!p0 s5, $0x0  }
0x1f: {  	s9 =	smul.u32 $0xF7A, s1;
	s8 =	simm.s32 @!p0 $0x1BF5;
	p2 =	por !p2, p0  }
0x20: {  	[sflag:s8] =	ssyncset.s32 @!p0 $0xFFFFF086;
	s6 =	sadd.s32 @!p0 s3, s7;
	s7 =	simm.s32 @!p0 $0x108  }
0x21: {  	s3 =	sadd.s32 s3, s9;
	s6 =	sadd.s32 @!p0 $0x88, s6;
	s7 =	simm.s32 @p2 $0x1082  }
0x22: {  	[simem:s7], [sflag:s8] =	dma.local @!p0 [hbm:s6], $0xF7A  }
0x23: {  	s9 =	sor.u32 $0xD0000000, s2;
	s6 =	simm.s32 $0x108;
	_ =	swait.ge @!p0 [sflag:s8], $0x0  }
0x24: {  	s3 =	sadd.s32 $0x88, s3;
	s6 =	simm.s32 @!p1 $0x1082;
	[sflag:s4] =	ssyncset.s32 $0xFFFFF086  }
0x25: {  	[simem:s6], [sflag:s4] =	dma.local [hbm:s3], $0xF7A  }
0x26: {  	[smem:$0x3F9E] =	sst s1;
	(tag) =	ssettag s2;
	_ =	strace s9  }
0x27: {  	s1 =	sld [smem:$0x3FAE]  }
0x28: {  	s2 =	sld [smem:$0x3FAF]  }
0x29: {  	s4 =	sld [smem:$0x3FB1]  }
0x2a: {  	p0 =	seq.s32 s5, $0x0;
	s5 =	sld [smem:$0x3FB2]  }
0x2b: {  	s6 =	sld [smem:$0x3FB3]  }
0x2c: {  	s7 =	sld [smem:$0x3FB4]  }
0x2d: {  	s3 =	simm.s32 $0x108;
	s8 =	sld [smem:$0x3FB5]  }
0x2e: {  	s3 =	simm.s32 @!p0 $0x1082;
	s9 =	sld [smem:$0x3FB6]  }
0x2f: {  	lr =	sadd.s32 s0, s3;
	s0 =	sld [smem:$0x3FAD]  }
0x30: {  	s3 =	sld [smem:$0x3FB0]  }
0x31: {  	[smem:$0x3FB9] =	sst s10  }
0x32: {  	s10 =	sld [smem:$0x3FB7];
	_ =	sdelay $0x3  }
0x33: {  	p0 =	seq.s32 s10, $0x1;
	s10 =	sld [smem:$0x3FB9];
	_ =	sdelay $0x3  }
0x34: {  	[smem:$0x3FB9] =	sst s10  }
0x35: {  	s10 =	sld [smem:$0x3FB8];
	_ =	sdelay $0x3  }
0x36: {  	p1 =	seq.s32 s10, $0x1;
	s10 =	sld [smem:$0x3FB9];
	_ =	sdelay $0x3  }
0x37: {  	[smem:$0x3FB9] =	sst s10  }
0x38: {  	s10 =	sld [smem:$0x3FBA]  }
0x39: {  	_ = 	snop;
	(pc) =	sbr.ind lr, $3  }
0x3a: {  	_ = 	snop  }
0x3b: {  	_ = 	snop  }
0x3c: {  	p2 =	seq.s32 s10, $0x1;
	s10 =	sld [smem:$0x3FB9]  }
0x3d: {  	_ =	shalt  }
0x3e: {  	_ =	shalt  }
0x3f: {  	_ =	shalt  }
0x40: {  	_ =	shalt  }
0x41: {  	_ =	shalt  }
0x42: {  	_ =	shalt  }
0x43: {  	_ =	shalt  }
0x44: {  	_ =	shalt  }
0x45: {  	_ =	shalt  }
0x46: {  	_ =	shalt  }
0x47: {  	_ =	shalt  }
0x48: {  	_ =	shalt  }
0x49: {  	_ =	shalt  }
0x4a: {  	_ =	shalt  }
0x4b: {  	_ =	shalt  }
0x4c: {  	_ =	shalt  }
0x4d: {  	_ =	shalt  }
0x4e: {  	_ =	shalt  }
0x4f: {  	_ =	shalt  }
0x50: {  	_ =	shalt  }
0x51: {  	_ =	shalt  }
0x52: {  	_ =	shalt  }
0x53: {  	_ =	shalt  }
0x54: {  	_ =	shalt  }
0x55: {  	_ =	shalt  }
0x56: {  	_ =	shalt  }
0x57: {  	_ =	shalt  }
0x58: {  	_ =	shalt  }
0x59: {  	_ =	shalt  }
0x5a: {  	_ =	shalt  }
0x5b: {  	_ =	shalt  }
0x5c: {  	_ =	shalt  }
0x5d: {  	_ =	shalt  }
0x5e: {  	_ =	shalt  }
0x5f: {  	_ =	shalt  }
0x60: {  	_ =	shalt  }
0x61: {  	_ =	shalt  }
0x62: {  	_ =	shalt  }
0x63: {  	_ =	shalt  }
0x64: {  	_ =	shalt  }
0x65: {  	_ =	shalt  }
0x66: {  	_ =	shalt  }
0x67: {  	_ =	shalt  }
0x68: {  	_ =	shalt  }
0x69: {  	_ =	shalt  }
0x6a: {  	_ =	shalt  }
0x6b: {  	_ =	shalt  }
0x6c: {  	_ =	shalt  }
0x6d: {  	_ =	shalt  }
0x6e: {  	_ =	shalt  }
0x6f: {  	_ =	shalt  }
0x70: {  	_ =	shalt  }
0x71: {  	_ =	shalt  }
0x72: {  	_ =	shalt  }
0x73: {  	_ =	shalt  }
0x74: {  	_ =	shalt  }
0x75: {  	_ =	shalt  }
0x76: {  	_ =	shalt  }
0x77: {  	_ =	shalt  }
0x78: {  	_ =	shalt  }
0x79: {  	_ =	shalt  }
0x7a: {  	_ =	shalt  }
0x7b: {  	_ =	shalt  }
0x7c: {  	_ =	shalt  }
0x7d: {  	_ =	shalt  }
0x7e: {  	_ =	shalt  }
0x7f: {  	_ =	shalt  }
0x80: {  	_ =	shalt  }
0x81: {  	_ =	shalt  }
0x82: {  	_ =	shalt  }
0x83: {  	_ =	shalt  }
0x84: {  	_ =	shalt  }
0x85: {  	_ =	shalt  }
0x86: {  	_ =	shalt  }
0x87: {  	_ =	shalt  }
.Lfunc_end0:
.L_simem_size_0:
called_computation.3_lowered:
.L_overlay_start_0:
0x88: {  	s2 =	sld [smem:$0x3FD9]  }
0x89: {  	s3 =	sld [smem:$0x3FFE];
	_ =	sdelay $0x1  }
0x8a: {  	s1 =	srdreg.scid  }
0x8b: {  	s0 =	sand.u32 $0x1, s1  }
0x8c: {  	s17 =	sshll.u32 s0, $0xA;
	s2 =	sadd.s32 s3, s2  }
0x8d: {  	s2 =	sadd.s32 s2, s17  }
0x8e: {  	[smem:$0x3FC5] =	sst s2  }
0x8f: {  	_ = 	snop  }
0x90: {  	s2 =	sld [smem:$0x3FD0];
	(tm) =	ssettm $0x1  }
0x91: {  	s18 =	sld [smem:$0x3FFB];
	_ =	sdelay $0x3  }
0x92: {  	_ =	strace s18  }
0x93: {  	s3 =	sld [smem:$0x3FFC];
	_ =	sdelay $0x3  }
0x94: {  	_ =	strace s3  }
0x95: {  	s3 =	sld [smem:$0x3FFD];
	_ =	sdelay $0x3  }
0x96: {  	_ =	strace s3  }
0x97: {  	_ =	strace $0x8FFFFFFF  }
0x98: {  	s19 =	sld [smem:$0x3FDB];
	_ =	sdelay $0x1  }
0x99: {  	s4 =	simm.s32 $_scs_section_size  }
0x9a: {  	s5 =	simm.s32 $_size__tile_overlayer_lowered;
	s6 =	simm.s32 $_tile_overlayer_lowered  }
0x9b: {  	s22 =	simm.s32 $0x1BFF;
	s21 =	sshll.u32 s6, $0x1;
	s3 =	sadd.s32 s4, s19  }
0x9c: {  	s7 =	simm.s32 $0x0;
	s20 =	sshll.u32 s5, $0x1;
	s5 =	sadd.s32 s21, s3  }
0x9d: {  	[timem:s7], [sflag:s22] =	dma.local [hbm:s5], s20  }
0x9e: {  	_ =	swait.ge [sflag:s22], s20  }
0x9f: {  	s4 =	ssub.s32 $0x0, s20;
	[sflag:s22] =	ssyncset.done $0x0  }
0xa0: {  	[sflag:s22] =	ssyncadd.s32 s4;
	_ =	sdelay $0x1  }
0xa1: {  	s23 =	simm.s32 $0x1B8B  }
0xa2: {  	_ =	swait.ge [sflag:s23], $0x1  }
0xa3: {  	[sflag:s23] =	ssyncset.done $0x0  }
0xa4: {  	s25 =	simm.s32 $0x1B8E;
	s24 =	sld [smem:$0x3FFE];
	[sflag:s23] =	ssyncadd.s32 $0xFFFFFFFF  }
0xa5: {  	s26 =	simm.s32 $execute0_lowered;
	[smem:$0x3FD2] =	sst s25  }
0xa6: {  	s5 =	sshll.u32 s26, $0x1;
	_ =	strace $0x8000004C;
	[dreg:$0x1] =	wrdreg $0xFFFFFFFF  }
0xa7: {  	s28 =	simm.s32 $_size_execute0_lowered;
	s3 =	sadd.s32 s3, s5;
	[dreg:$0x0] =	wrdreg $0x0  }
0xa8: {  	s5 =	sshll.u32 s28, $0x1;
	[dreg:$0x2] =	wrdreg s3  }
0xa9: {  	[dreg:$0x3] =	wrdreg s5  }
0xaa: {  	[dreg:$0x4] =	wrdreg $0xC0  }
0xab: {  	_ =	task [dreg:s7], $0x5FFFF  }
0xac: {  	[dreg:$0x1] =	wrdreg $0xFFFFFFFF  }
0xad: {  	[dreg:$0x0] =	wrdreg $0x60  }
0xae: {  	[dreg:$0x2] =	wrdreg s24  }
0xaf: {  	[dreg:$0x3] =	wrdreg s2  }
0xb0: {  	[dreg:$0x4] =	wrdreg $0x100000  }
0xb1: {  	[dreg:$0x5] =	wrdreg $0x9  }
0xb2: {  	_ =	task.clear_ibuf [dreg:s7], $0x6FFFF;
	_ =	strace $0x9000004C  }
0xb3: {  	s29 =	simm.s32 $0x9;
	_ =	strace $0x8000004E  }
0xb4: {  	_ =	swait.ge [sflag:s29], $0x1  }
0xb5: {  	[sflag:s29] =	ssyncadd.s32 $0xFFFFFFFF  }
0xb6: {  	_ =	strace $0x9000004E  }
0xb7: {  	_ =	sfence  }
0xb8: {  	s30 =	sld [smem:$0x0];
	_ =	sdelay $0x2  }
0xb9: {  	s31 =	sshll.u32 s1, $0xD;
	s1 =	sshrl.u32 s1, $0x2  }
0xba: {  	s3 =	sand.u32 $0x4000, s31;
	s1 =	sadd.s32 s1, s30  }
0xbb: {  	s0 =	sor.u32 s3, s0;
	s1 =	sshll.u32 s1, $0x11  }
0xbc: {  	s0 =	sor.u32 s1, s0  }
0xbd: {  	s0 =	sadd.s32 $0x8F2B, s0  }
0xbe: {  	[sflag:s0] =	ssyncadd.remote.s32 $0x1  }
0xbf: {  	_ =	sfence.sel $0xFFFF  }
0xc0: {  	[dreg:$0x0] =	wrdreg $0xFFFFFFFF;
	(pc) =	sbr.abs _section_cstart, $3  }
0xc1: {  	[dreg:$0x1] =	wrdreg $0xFFFFFFFF  }
0xc2: {  	_ =	task.clear_ibuf [dreg:s7], $0x2FFFF;
	_ =	strace $0x9FFFFFFF  }
0xc3: {  	(tm) =	ssettm $0x7FFFFFFF  }
tec
execute0_lowered:
.L_overlay_start_1:
0x0: {  	(tag) =	ssettag $0x1  }
0x1: {  	s0 =	rddreg [dreg:$0x0]  }
0x2: {  	s2 =	rddreg [dreg:$0x2];
	s1 =	srdreg.scid  }
0x3: {  	s4 =	simm.s32 $0x0;
	s10 =	stileid.u32;
	s17 =	simm.s32 $0x5  }
0x4: {  	s18 =	simm.s32 $0x4000;
	s19 =	simm.s32 $0x1;
	s20 =	simm.s32 $0x2000  }
0x5: {  	s21 =	simm.s32 $0x8000;
	s22 =	simm.s32 $0xC000;
	s23 =	simm.s32 $0x2  }
0x6: {  	s24 =	simm.s32 $0xA000;
	s25 =	simm.s32 $0xE000;
	s26 =	simm.s32 $0x3  }
0x7: {  	s28 =	simm.s32 $0x4;
	s1 =	sand.u32 $0x1, s1;
	s5 =	smul.u32 $0xC000, s10  }
0x8: {  	[smem:$0x7FF] =	sst s4;
	s7 =	sadd.s32 $0x1000, s0;
	s29 =	smul.u32 $0x18000, s10  }
0x9: {  	s6 =	sshll.u32 s10, $0x6;
	s8 =	smul.u32 $0x30, s10;
	s0 =	sadd.s32 $0x181000, s0  }
0xa: {  	s12 =	sshll.u32 s10, $0xD;
	[dreg:$0x4] =	wrdreg s1;
	s1 =	ssub.s32 $0x2, s1  }
0xb: {  	s9 =	sor.u32 $0x1C05, s6;
	_ =	strace $0x8000004D;
	s3 =	sshrl.u32 s1, $0x1  }
.Ltmp0:
0xc: {  	[dreg:$0x5] =	wrdreg s5;
	s5 =	sadd.s32 s5, s2;
	(pc) =	sbr.rel .LBB2_1-.Ltmp0, $4  }
0xd: {  	[dreg:$0x6] =	wrdreg s0;
	s30 =	sadd.s32 s7, s29;
	s13 =	sor.u32 $0x2, s8  }
0xe: {  	s14 =	sor.u32 $0x3, s8;
	s1 =	ssub.s32 s1, s3;
	s0 =	sadd.s32 $0x800, s30  }
0xf: {  	s11 =	smov.u32 s30;
	[dreg:$0x7] =	wrdreg s0;
	s31 =	smax.u32 s1, $0x1  }
0x10: {  	v0 =	vlaneseq.u32;
	s16 =	sshrl.u32 s5, $0x3;
	s1 =	simm.s32 $0x0;
	[dreg:$0x8] =	wrdreg s31  }
.LBB2_10:
0x11: {  	s1 =	rddreg [dreg:$0x9]  }
0x12: {  	s0 =	rddreg [dreg:$0x8];
	s1 =	sadd.s32 $0x1, s1  }
0x13: {  	p0 =	sne.s32 s1, s0  }
.Ltmp1:
0x14: {  	_ = 	snop;
	(pc) =	sbr.rel @!p0 .LBB2_11-.Ltmp1, $1  }
0x15: {  	_ =	sdelay $0x3  }
.LBB2_1:
.Ltmp2:
0x16: {  	(pc) =	sbr.rel .LBB2_2-.Ltmp2, $2  }
0x17: {  	_ =	sdelay $0x2  }
0x18: {  	[dreg:$0x9] =	wrdreg s1;
	s30 =	simm.s32 $0x0  }
.LBB2_9:
0x19: {  	[spmem:s2] =	stream.indirect.scatter.add.f32 [tilespmem:s25], [sflag:$0x4], $0x1, s24, s20, $0xb8;
	[tilespmem:$0x1C000] =	vst v63  }
0x1a: {  	_ =	swait.ge [sflag:s26], $0x2000  }
0x1b: {  	[sflag:s26] =	ssyncset.done $0x0  }
0x1c: {  	[sflag:s26] =	ssyncadd.s32 $0xFFFFE000  }
0x1d: {  	_ =	swait.ge [sflag:s28], $0x2000  }
0x1e: {  	[sflag:s28] =	ssyncset.done $0x0  }
0x1f: {  	s0 =	rddreg [dreg:$0x5];
	[sflag:s28] =	ssyncadd.s32 $0xFFFFE000  }
0x20: {  	s0 =	sadd.s32 s0, s31;
	[bflag:$0x0] =	sbarrier.arrive $0xFFFF  }
0x21: {  	s30 =	sadd.s32 $0x1, s30;
	s0 =	sshrl.u32 s0, $0x3;
	s1 =	rddreg [dreg:$0x1]  }
0x22: {  	p0 =	sne.s32 s30, $0x10;
	s0 =	sadd.s32 s1, s0  }
0x23: {  	[hbm:s0], [sflag:s9] =	dma.local [spmem:s16], $0x1800  }
.Ltmp3:
0x24: {  	_ =	swait.ge [sflag:s17], $0x1800;
	(pc) =	sbr.rel @!p0 .LBB2_10-.Ltmp3, $3  }
0x25: {  	[sflag:s17] =	ssyncset.done $0x0  }
0x26: {  	[sflag:s17] =	ssyncadd.s32 $0xFFFFE800  }
0x27: {  	[bflag:$0x0] =	sbarrier.arrive $0xFFFF;
	_ =	sdelay $0x1  }
.LBB2_2:
0x28: {  	s0 =	rddreg [dreg:$0x6]  }
0x29: {  	[spmem:s16], [sflag:s9] =	dma.local [hbm:s0], $0x1800  }
0x2a: {  	_ =	swait.ge [sflag:s17], $0x1800  }
0x2b: {  	s15 =	sshll.u32 s30, $0x1;
	[sflag:s17] =	ssyncset.done $0x0;
	s1 =	rddreg [dreg:$0x4]  }
0x2c: {  	[sflag:s17] =	ssyncadd.s32 $0xFFFFE800;
	s1 =	sor.u32 s1, s15  }
0x2d: {  	s0 =	simm.s32 $0x0;
	[bflag:$0x0] =	sbarrier.arrive $0xFFFF;
	s31 =	smul.u32 $0xC0000, s1  }
0x2e: {  	[tilespmem:s0], [sflag:$0x1] =	stream.linear.gather [hbm4b:s11+s0], $0x4000, $0x38;
	[tilespmem:$0x1C000] =	vst v63  }
0x2f: {  	s3 =	simm.s32 $0x0;
	s29 =	rddreg [dreg:$0x7]  }
0x30: {  	v1 =	vmov s31;
	[tilespmem:s18], [sflag:$0x2] =	stream.linear.gather [hbm4b:s29+s0], $0x4000, $0x38;
	[tilespmem:$0x1C000] =	vst v63  }
.LBB2_3:
0x31: {  	_ =	swait.ge [sflag:s19], $0x4000  }
0x32: {  	p1 =	seq.s32 s3, $0x0;
	[sflag:s19] =	ssyncset.done $0x0  }
0x33: {  	s1 =	simm.s32 @!p1 $0x3;
	[sflag:s19] =	ssyncadd.s32 $0xFFFFC000  }
0x34: {  	_ =	swait.ge @!p1 [sflag:s1], $0x2000  }
0x35: {  	[sflag:s1] =	ssyncset.done @!p1 $0x0  }
0x36: {  	[sflag:s1] =	ssyncadd.s32 @!p1 $0xFFFFE000  }
0x37: {  	v2 =	vld [tilespmem:s0+$0x0];
	_ =	sdelay $0x1  }
0x38: {  	s10 =	sand.u32 $0x1FF0, s0  }
0x39: {  	v3 =	vld [tilespmem:s10+$0x2000];
	_ =	sdelay $0x1  }
0x3a: {  	s15 =	sadd.s32 $0x0, s12;
	v2 =	vsub.s32 v2, v1  }
0x3b: {  	v4 =	vor.u32 s15, v0;
	vm0 =	vlt.u32 v2, $0xC0000  }
0x3c: {  	s1 =	simm.s32 $0x8000;
	v2 =	vsel vm0, v2, v4  }
0x3d: {  	s29 =	simm.s32 $0xC000;
	[tilespmem:s1+$0x0] =	vst v2;
	v2 =	vnsel vm0, $0x0, v3  }
0x3e: {  	s5 =	simm.s32 $0x10;
	[tilespmem:s29+$0x0] =	vst v2  }
0x3f: {  	v2 =	vld [tilespmem:s5+$0x0]  }
0x40: {  	s6 =	simm.s32 $0x20;
	s8 =	simm.s32 $0x10;
	s15 =	sshll.u32 s3, $0x1  }
.LBB2_4:
0x41: {  	p0 =	sne.s32 s6, $0x1FF0;
	s10 =	sand.u32 $0x1FF0, s5  }
0x42: {  	v3 =	vld [tilespmem:s10+$0x2000];
	_ =	sdelay $0x1  }
0x43: {  	s10 =	sadd.s32 s5, s12;
	s5 =	smov.u32 s6;
	v2 =	vsub.s32 v2, v1  }
0x44: {  	v4 =	vor.u32 s10, v0;
	vm0 =	vlt.u32 v2, $0xC0000  }
.Ltmp4:
0x45: {  	s1 =	sadd.s32 $0x10, s1;
	v2 =	vsel vm0, v2, v4;
	(pc) =	sbr.rel @p0 .LBB2_4-.Ltmp4, $4  }
0x46: {  	s29 =	sadd.s32 $0x10, s29;
	[tilespmem:s1+$0x0] =	vst v2;
	v2 =	vnsel vm0, $0x0, v3  }
0x47: {  	s8 =	sadd.s32 $0x10, s8;
	[tilespmem:s29+$0x0] =	vst v2  }
0x48: {  	v2 =	vld [tilespmem:s8+$0x0]  }
0x49: {  	s6 =	sadd.s32 $0x10, s6  }
0x4a: {  	s6 =	sand.u32 $0x1FF0, s5  }
0x4b: {  	v3 =	vld [tilespmem:s6+$0x2000];
	_ =	sdelay $0x1  }
0x4c: {  	s8 =	sadd.s32 s5, s12;
	v2 =	vsub.s32 v2, v1  }
0x4d: {  	p0 =	seq.s32 s3, $0x17;
	v4 =	vor.u32 s8, v0;
	vm0 =	vlt.u32 v2, $0xC0000  }
0x4e: {  	s1 =	sadd.s32 $0x10, s1;
	s5 =	sadd.s32 @!p0 s15, s13;
	v2 =	vsel vm0, v2, v4  }
0x4f: {  	s10 =	sadd.s32 $0x10, s29;
	s5 =	sshll.u32 @!p0 s5, $0xB;
	[tilespmem:s1+$0x0] =	vst v2;
	v2 =	vnsel vm0, $0x0, v3  }
0x50: {  	s1 =	sadd.s32 @!p0 s7, s5;
	s5 =	simm.s32 @!p0 $0x0;
	[tilespmem:s10+$0x0] =	vst v2  }
0x51: {  	[tilespmem:s5], [sflag:$0x1] =	stream.linear.gather @!p0 [hbm4b:s1+s5], $0x4000, $0x38;
	[tilespmem:$0x1C000] =	vst v63  }
0x52: {  	_ = 	snop  }
0x53: {  	[spmem:s2] =	stream.indirect.scatter.add.f32 [tilespmem:s22], [sflag:$0x3], $0x1, s21, s20, $0xb8;
	[tilespmem:$0x1C000] =	vst v63  }
0x54: {  	_ =	swait.ge [sflag:s23], $0x4000  }
0x55: {  	[sflag:s23] =	ssyncset.done $0x0  }
0x56: {  	s1 =	simm.s32 @!p1 $0x4;
	[sflag:s23] =	ssyncadd.s32 $0xFFFFC000  }
0x57: {  	_ =	swait.ge @!p1 [sflag:s1], $0x2000  }
0x58: {  	[sflag:s1] =	ssyncset.done @!p1 $0x0  }
0x59: {  	s6 =	simm.s32 $0x4000;
	[sflag:s1] =	ssyncadd.s32 @!p1 $0xFFFFE000  }
0x5a: {  	v2 =	vld [tilespmem:s6+$0x0]  }
0x5b: {  	s8 =	simm.s32 $0x0  }
0x5c: {  	s1 =	sand.u32 $0x1FF0, s8  }
0x5d: {  	v3 =	vld [tilespmem:s1+$0x6000];
	_ =	sdelay $0x1  }
0x5e: {  	s10 =	sadd.s32 $0x0, s12;
	v2 =	vsub.s32 v2, v1  }
0x5f: {  	v63 =	vor.u32 s10, v0;
	vm15 =	vlt.u32 v2, $0xC0000  }
0x60: {  	s29 =	simm.s32 $0xA000;
	v2 =	vsel vm15, v2, v63  }
0x61: {  	s1 =	simm.s32 $0xE000;
	[tilespmem:s29+$0x0] =	vst v2;
	v2 =	vnsel vm15, $0x0, v3  }
0x62: {  	s6 =	simm.s32 $0x4010;
	[tilespmem:s1+$0x0] =	vst v2  }
0x63: {  	v2 =	vld [tilespmem:s6+$0x0]  }
0x64: {  	s5 =	simm.s32 $0x10;
	s8 =	simm.s32 $0x20  }
.LBB2_6:
0x65: {  	p1 =	sne.s32 s8, $0x1FF0;
	s10 =	sand.u32 $0x1FF0, s5  }
0x66: {  	v3 =	vld [tilespmem:s10+$0x6000];
	_ =	sdelay $0x1  }
0x67: {  	s10 =	sadd.s32 s5, s12;
	s5 =	smov.u32 s8;
	v2 =	vsub.s32 v2, v1  }
0x68: {  	v4 =	vor.u32 s10, v0;
	vm0 =	vlt.u32 v2, $0xC0000  }
.Ltmp5:
0x69: {  	s29 =	sadd.s32 $0x10, s29;
	v2 =	vsel vm0, v2, v4;
	(pc) =	sbr.rel @p1 .LBB2_6-.Ltmp5, $4  }
0x6a: {  	s1 =	sadd.s32 $0x10, s1;
	[tilespmem:s29+$0x0] =	vst v2;
	v2 =	vnsel vm0, $0x0, v3  }
0x6b: {  	s6 =	sadd.s32 $0x10, s6;
	[tilespmem:s1+$0x0] =	vst v2  }
0x6c: {  	v2 =	vld [tilespmem:s6+$0x0]  }
0x6d: {  	s8 =	sadd.s32 $0x10, s8  }
0x6e: {  	s6 =	sand.u32 $0x1FF0, s5  }
0x6f: {  	v3 =	vld [tilespmem:s6+$0x6000];
	_ =	sdelay $0x1  }
.Ltmp6:
0x70: {  	s10 =	sadd.s32 s5, s12;
	v2 =	vsub.s32 v2, v1;
	(pc) =	sbr.rel @p0 .LBB2_9-.Ltmp6, $4  }
0x71: {  	v4 =	vor.u32 s10, v0;
	vm0 =	vlt.u32 v2, $0xC0000  }
0x72: {  	s29 =	sadd.s32 $0x10, s29;
	v2 =	vsel vm0, v2, v4  }
0x73: {  	s1 =	sadd.s32 $0x10, s1;
	[tilespmem:s29+$0x0] =	vst v2;
	v2 =	vnsel vm0, $0x0, v3  }
0x74: {  	[tilespmem:s1+$0x0] =	vst v2  }
0x75: {  	s1 =	sadd.s32 s15, s14  }
.Ltmp7:
0x76: {  	s1 =	sshll.u32 s1, $0xB;
	(pc) =	sbr.rel .LBB2_3-.Ltmp7, $4  }
0x77: {  	s1 =	sadd.s32 s7, s1  }
0x78: {  	[tilespmem:s18], [sflag:$0x2] =	stream.linear.gather [hbm4b:s1+s4], $0x4000, $0x38;
	[tilespmem:$0x1C000] =	vst v63  }
0x79: {  	s3 =	sadd.s32 $0x1, s3  }
0x7a: {  	[spmem:s2] =	stream.indirect.scatter.add.f32 [tilespmem:s25], [sflag:$0x4], $0x1, s24, s20, $0xb8;
	[tilespmem:$0x1C000] =	vst v63  }
.LBB2_11:
0x7b: {  	_ =	sfence.sel $0x180000  }
0x7c: {  	[bflag:$0x0] =	sbarrier.arrive $0xFFFF  }
0x7d: {  	_ =	strace $0x9000004D  }
0x7e: {  	s0 =	stileid.u32;
	[bflag:$0x2] =	sbarrier.arrive $0xFFFF  }
0x7f: {  	p0 =	sne.s32 s0, $0x0;
	s0 =	rddreg [dreg:$0x3]  }
0x80: {  	s0 =	sadd.s32 @!p0 $0x100000, s0  }
0x81: {  	[sflag:s0] =	ssyncadd.tile.s32 @!p0 $0x1;
	_ =	shalt  }
.Lfunc_end2:
_tile_overlayer_lowered:
.L_overlay_start_2:
0x82: {  	(tag) =	ssettag $0x2  }
0x83: {  	s0 =	rddreg [dreg:$0x0];
	s2 =	stileid.u32  }
0x84: {  	s1 =	rddreg [dreg:$0x1];
	p0 =	sne.s32 s2, $0x0  }
0x85: {  	s3 =	rddreg [dreg:$0x2];
	[bflag:$0x3] =	sbarrier.arrive $0xFFFF;
	s2 =	simm.s32 @!p0 $0x1C05  }
0x86: {  	[timem:s3], [sflag:s2] =	dma.local @!p0 [hbm:s0], s1  }
0x87: {  	s0 =	simm.s32 @!p0 $0x5  }
0x88: {  	_ =	swait.ge @!p0 [sflag:s0], s1  }
0x89: {  	s1 =	ssub.s32 @!p0 $0x0, s1;
	[sflag:s0] =	ssyncset.done @!p0 $0x0  }
0x8a: {  	[sflag:s0] =	ssyncadd.s32 @!p0 s1  }
0x8b: {  	[bflag:$0x3] =	sbarrier.arrive $0xFFFF  }
0x8c: {  	_ =	shalt  }

// kernel: sparse-core-data-format-call.1.cloned.1.call-start
scs
called_computation.1_lowered:
.L_overlay_start_0:
0x0: {  	s2 =	sld [smem:$0x3FD9]  }
0x1: {  	s3 =	sld [smem:$0x3FFE];
	_ =	sdelay $0x1  }
0x2: {  	s1 =	srdreg.scid  }
0x3: {  	s0 =	sand.u32 $0x1, s1  }
0x4: {  	s18 =	sshll.u32 s0, $0xA;
	s2 =	sadd.s32 s3, s2  }
0x5: {  	s2 =	sadd.s32 s2, s18  }
0x6: {  	[smem:$0x3FC5] =	sst s2  }
0x7: {  	_ = 	snop  }
0x8: {  	s2 =	sld [smem:$0x3FD0];
	(tm) =	ssettm $0x1  }
0x9: {  	s19 =	sld [smem:$0x3FFB];
	_ =	sdelay $0x3  }
0xa: {  	_ =	strace s19  }
0xb: {  	s3 =	sld [smem:$0x3FFC];
	_ =	sdelay $0x3  }
0xc: {  	_ =	strace s3  }
0xd: {  	s3 =	sld [smem:$0x3FFD];
	_ =	sdelay $0x3  }
0xe: {  	_ =	strace s3  }
0xf: {  	_ =	strace $0x8FFFFFFF  }
0x10: {  	s20 =	sld [smem:$0x3FDB];
	_ =	sdelay $0x1  }
0x11: {  	s4 =	simm.s32 $_scs_section_size  }
0x12: {  	s5 =	simm.s32 $_size__tile_overlayer_lowered;
	s6 =	simm.s32 $_tile_overlayer_lowered  }
0x13: {  	s23 =	simm.s32 $0x1BFF;
	s22 =	sshll.u32 s6, $0x1;
	s3 =	sadd.s32 s4, s20  }
0x14: {  	s7 =	simm.s32 $0x0;
	s21 =	sshll.u32 s5, $0x1;
	s5 =	sadd.s32 s22, s3  }
0x15: {  	[timem:s7], [sflag:s23] =	dma.local [hbm:s5], s21  }
0x16: {  	_ =	swait.ge [sflag:s23], s21  }
0x17: {  	s4 =	ssub.s32 $0x0, s21;
	[sflag:s23] =	ssyncset.done $0x0  }
0x18: {  	[sflag:s23] =	ssyncadd.s32 s4;
	_ =	sdelay $0x1  }
0x19: {  	s24 =	simm.s32 $0x1B8B  }
0x1a: {  	_ =	swait.ge [sflag:s24], $0x1  }
0x1b: {  	[sflag:s24] =	ssyncset.done $0x0  }
0x1c: {  	s26 =	simm.s32 $0x1B8E;
	s25 =	sld [smem:$0x3FFE];
	[sflag:s24] =	ssyncadd.s32 $0xFFFFFFFF  }
0x1d: {  	s27 =	simm.s32 $execute0_lowered;
	[smem:$0x3FD2] =	sst s26  }
0x1e: {  	s5 =	sshll.u32 s27, $0x1;
	_ =	strace $0x80000049;
	[dreg:$0x1] =	wrdreg $0xFFFFFFFF  }
0x1f: {  	s28 =	simm.s32 $_size_execute0_lowered;
	s3 =	sadd.s32 s3, s5;
	[dreg:$0x0] =	wrdreg $0x0  }
0x20: {  	s5 =	sshll.u32 s28, $0x1;
	[dreg:$0x2] =	wrdreg s3  }
0x21: {  	[dreg:$0x3] =	wrdreg s5  }
0x22: {  	[dreg:$0x4] =	wrdreg $0xC0  }
0x23: {  	_ =	task [dreg:s7], $0x5FFFF  }
0x24: {  	[dreg:$0x1] =	wrdreg $0xFFFFFFFF  }
0x25: {  	[dreg:$0x0] =	wrdreg $0x60  }
0x26: {  	[dreg:$0x2] =	wrdreg s25  }
0x27: {  	[dreg:$0x3] =	wrdreg s2  }
0x28: {  	[dreg:$0x4] =	wrdreg $0x9  }
0x29: {  	_ =	task.clear_ibuf [dreg:s7], $0x5FFFF;
	_ =	strace $0x90000049  }
0x2a: {  	s29 =	simm.s32 $0x9;
	_ =	strace $0x8000004B  }
0x2b: {  	_ =	swait.ge [sflag:s29], $0x1  }
0x2c: {  	[sflag:s29] =	ssyncadd.s32 $0xFFFFFFFF  }
0x2d: {  	_ =	strace $0x9000004B  }
0x2e: {  	_ =	sfence  }
0x2f: {  	s30 =	sld [smem:$0x0];
	_ =	sdelay $0x2  }
0x30: {  	s31 =	sshll.u32 s1, $0xD;
	s1 =	sshrl.u32 s1, $0x2  }
0x31: {  	s3 =	sand.u32 $0x4000, s31;
	s1 =	sadd.s32 s1, s30  }
0x32: {  	s0 =	sor.u32 s3, s0;
	s1 =	sshll.u32 s1, $0x11  }
0x33: {  	s0 =	sor.u32 s1, s0  }
0x34: {  	s0 =	sadd.s32 $0x8F2B, s0  }
0x35: {  	[sflag:s0] =	ssyncadd.remote.s32 $0x1  }
0x36: {  	_ =	sfence.sel $0xFFFF  }
0x37: {  	[dreg:$0x0] =	wrdreg $0xFFFFFFFF;
	(pc) =	sbr.abs _section_cstart, $3  }
0x38: {  	[dreg:$0x1] =	wrdreg $0xFFFFFFFF  }
0x39: {  	_ =	task.clear_ibuf [dreg:s7], $0x2FFFF;
	_ =	strace $0x9FFFFFFF  }
0x3a: {  	(tm) =	ssettm $0x7FFFFFFF  }
0x3b: {  	_ =	shalt  }
tec
execute0_lowered:
.L_overlay_start_1:
0x0: {  	(tag) =	ssettag $0x1  }
0x1: {  	s4 =	rddreg [dreg:$0x0]  }
0x2: {  	s2 =	rddreg [dreg:$0x1]  }
0x3: {  	s0 =	rddreg [dreg:$0x2];
	s3 =	srdreg.scid  }
.Ltmp0:
0x4: {  	_ =	strace $0x8000004A;
	s1 =	stileid.u32;
	(pc) =	sbr.rel .LBB1_1-.Ltmp0, $4  }
0x5: {  	s6 =	simm.s32 $0x2;
	s9 =	simm.s32 $0x0;
	s5 =	sshll.u32 s3, $0x4  }
0x6: {  	s7 =	simm.s32 $0x0;
	s3 =	simm.s32 $0x1;
	s5 =	sand.u32 $0x10, s5  }
0x7: {  	s4 =	sadd.s32 $0x1000, s4;
	[sflag:s3] =	ssyncpa.u1 $0x0;
	s5 =	sor.u32 s1, s5  }
0x8: {  	[sflag:s6] =	ssyncpa.u1 $0x0;
	s6 =	simm.s32 $0x0;
	s8 =	smov.u32 s5  }
.LBB1_7:
0x9: {  	s11 =	sadd.s32 $0x20, s8  }
0xa: {  	p0 =	slt.u32 s7, $0x2;
	s7 =	sadd.s32 $0x1, s7;
	p1 =	sgt.s32 s11, $0x2FF  }
0xb: {  	s11 =	smov.u32 @p1 s5;
	p1 =	sne.s32 s7, $0x1A  }
.Ltmp1:
0xc: {  	_ = 	snop;
	(pc) =	sbr.rel @!p1 .LBB1_8-.Ltmp1, $4  }
0xd: {  	s10 =	simm.s32 @!p0 $0x2  }
0xe: {  	_ =	swait.ge @!p0 [sflag:s10], $0x4000  }
0xf: {  	[sflag:s10] =	ssyncset.done @!p0 $0x0  }
0x10: {  	s9 =	smov.u32 s8;
	s8 =	smov.u32 s11;
	[sflag:s10] =	ssyncadd.s32 @!p0 $0xFFFFC000  }
.LBB1_1:
0x11: {  	p0 =	sgt.u32 s7, $0x17  }
0x12: {  	s10 =	sxor.u32 @!p0 $0xFFFFFFFF, s7  }
0x13: {  	s11 =	sshll.u32 @!p0 s8, $0xB;
	s10 =	sshll.u32 @!p0 s10, $0xE  }
0x14: {  	s12 =	simm.s32 @!p0 $0x0;
	s11 =	sadd.s32 @!p0 s4, s11;
	s10 =	sand.u32 @!p0 $0x4000, s10  }
0x15: {  	[tilespmem:s10], [sflag:$0x1] =	stream.linear.gather @!p0 [hbm4b:s11+s12], $0x4000, $0x38;
	[tilespmem:$0x10000] =	vst v63  }
0x16: {  	p0 =	seq.s32 s7, $0x0  }
0x17: {  	p1 =	seq.s32 @!p0 s7, $0x19  }
0x18: {  	p0 =	por p0, p1  }
.Ltmp2:
0x19: {  	_ = 	snop;
	(pc) =	sbr.rel @p0 .LBB1_7-.Ltmp2, $1  }
0x1a: {  	_ =	sdelay $0x3  }
0x1b: {  	_ =	swait.ge [sflag:s3], $0x4000;
	s10 =	sshll.u32 s7, $0xE  }
0x1c: {  	[sflag:s3] =	ssyncset.done $0x0;
	s11 =	sand.u32 $0x4000, s10  }
0x1d: {  	s12 =	simm.s32 $0x0;
	[sflag:s3] =	ssyncadd.s32 $0xFFFFC000;
	s10 =	sor.u32 $0x8000, s11  }
.LBB1_3:
0x1e: {  	s13 =	sshll.u32 s12, $0x8  }
0x1f: {  	s13 =	sand.u32 $0x3FFFFF00, s13  }
0x20: {  	s14 =	sshll.u32 s12, $0x7;
	s13 =	sadd.s32 s13, s11  }
0x21: {  	s14 =	sand.u32 $0x3FFFFF80, s14;
	v0 =	vmov s13  }
0x22: {  	s14 =	sadd.s32 s14, s10  }
0x23: {  	p0 =	por $0x1, $0x1;
	v1 =	vmov s14;
	s13 =	simm.s32 $0x0  }
.LBB1_4:
0x24: {  	s14 =	sshll.u32 s13, $0x7  }
0x25: {  	s14 =	sand.u32 $0x3FFFFF80, s14  }
0x26: {  	v2 =	vld.idx.msk [tilespmem:v0+s14+$0x0 ss:$0x1], $0xffff  }
0x27: {  	v3 =	vld.idx.msk [tilespmem:v0+s14+$0x10 ss:$0x1], $0xffff  }
0x28: {  	v4 =	vld.idx.msk [tilespmem:v0+s14+$0x20 ss:$0x1], $0xffff  }
0x29: {  	s31 =	sshll.u32 s13, $0xD;
	v5 =	vld.idx.msk [tilespmem:v0+s14+$0x30 ss:$0x1], $0xffff  }
0x2a: {  	s13 =	sand.u32 $0x3FFFE000, s31;
	v6 =	vld.idx.msk [tilespmem:v0+s14+$0x40 ss:$0x1], $0xffff  }
0x2b: {  	v63 =	vld.idx.msk [tilespmem:v0+s14+$0x70 ss:$0x1], $0xffff;
	[tilespmem:v1+s13+$0x0 ss:$0x1] =	vst.idx.msk $0xffff, v2  }
0x2c: {  	v2 =	vld.idx.msk [tilespmem:v0+s14+$0x50 ss:$0x1], $0xffff;
	[tilespmem:v1+s13+$0x10 ss:$0x1] =	vst.idx.msk $0xffff, v3  }
0x2d: {  	p1 =	por p0, p0;
	v3 =	vld.idx.msk [tilespmem:v0+s14+$0x60 ss:$0x1], $0xffff;
	[tilespmem:v1+s13+$0x20 ss:$0x1] =	vst.idx.msk $0xffff, v4  }
.Ltmp3:
0x2e: {  	[tilespmem:v1+s13+$0x30 ss:$0x1] =	vst.idx.msk $0xffff, v5;
	(pc) =	sbr.rel @p1 .LBB1_4-.Ltmp3, $4  }
0x2f: {  	[tilespmem:v1+s13+$0x40 ss:$0x1] =	vst.idx.msk $0xffff, v6  }
0x30: {  	[tilespmem:v1+s13+$0x70 ss:$0x1] =	vst.idx.msk $0xffff, v63  }
0x31: {  	[tilespmem:v1+s13+$0x50 ss:$0x1] =	vst.idx.msk $0xffff, v2  }
0x32: {  	p0 =	por $0x0, $0x0;
	[tilespmem:v1+s13+$0x60 ss:$0x1] =	vst.idx.msk $0xffff, v3;
	s13 =	simm.s32 $0x1  }
0x33: {  	s12 =	sadd.s32 $0x1, s12  }
0x34: {  	p0 =	sne.s32 s12, $0x40  }
.Ltmp4:
0x35: {  	_ = 	snop;
	(pc) =	sbr.rel @p0 .LBB1_3-.Ltmp4, $1  }
0x36: {  	_ =	sdelay $0x3  }
.Ltmp5:
0x37: {  	(pc) =	sbr.rel .LBB1_7-.Ltmp5, $4  }
0x38: {  	_ = 	snop  }
0x39: {  	s9 =	sshll.u32 s9, $0xB  }
0x3a: {  	s9 =	sadd.s32 s2, s9  }
0x3b: {  	[hbm4b:s9+s6] =	stream.linear.scatter [tilespmem:s10], [sflag:$0x2], $0x4000, $0x38;
	[tilespmem:$0x10000] =	vst v63  }
.LBB1_8:
0x3c: {  	_ =	sfence.sel $0x180000  }
0x3d: {  	s2 =	simm.s32 $0x1;
	[bflag:$0x0] =	sbarrier.arrive $0xFFFF  }
0x3e: {  	s31 =	simm.s32 $0x2;
	[sflag:s2] =	ssyncpa.u1 $0x1  }
0x3f: {  	[sflag:s31] =	ssyncpa.u1 $0x1  }
0x40: {  	p0 =	sne.s32 s1, $0x0;
	_ =	strace $0x9000004A  }
0x41: {  	s0 =	sadd.s32 @!p0 $0x100000, s0;
	[bflag:$0x2] =	sbarrier.arrive $0xFFFF  }
0x42: {  	[sflag:s0] =	ssyncadd.tile.s32 @!p0 $0x1;
	_ =	shalt  }
.Lfunc_end1:
_tile_overlayer_lowered:
.L_overlay_start_2:
0x43: {  	(tag) =	ssettag $0x2  }
0x44: {  	s0 =	rddreg [dreg:$0x0];
	s2 =	stileid.u32  }
0x45: {  	s1 =	rddreg [dreg:$0x1];
	p0 =	sne.s32 s2, $0x0  }
0x46: {  	s3 =	rddreg [dreg:$0x2];
	[bflag:$0x3] =	sbarrier.arrive $0xFFFF;
	s2 =	simm.s32 @!p0 $0x1C01  }
0x47: {  	[timem:s3], [sflag:s2] =	dma.local @!p0 [hbm:s0], s1  }
0x48: {  	s0 =	simm.s32 @!p0 $0x1  }
0x49: {  	_ =	swait.ge @!p0 [sflag:s0], s1  }
0x4a: {  	s1 =	ssub.s32 @!p0 $0x0, s1;
	[sflag:s0] =	ssyncset.done @!p0 $0x0  }
0x4b: {  	[sflag:s0] =	ssyncadd.s32 @!p0 s1  }
0x4c: {  	[bflag:$0x3] =	sbarrier.arrive $0xFFFF  }
0x4d: {  	_ =	shalt  }

// kernel: sparse-core-data-format-call.2.cloned.1.call-start
scs
called_computation.2_lowered:
.L_overlay_start_0:
0x0: {  	s2 =	sld [smem:$0x3FD9]  }
0x1: {  	s3 =	sld [smem:$0x3FFE];
	_ =	sdelay $0x1  }
0x2: {  	s1 =	srdreg.scid  }
0x3: {  	s0 =	sand.u32 $0x1, s1  }
0x4: {  	s18 =	sshll.u32 s0, $0xA;
	s2 =	sadd.s32 s3, s2  }
0x5: {  	s2 =	sadd.s32 s2, s18  }
0x6: {  	[smem:$0x3FC5] =	sst s2  }
0x7: {  	_ = 	snop  }
0x8: {  	s2 =	sld [smem:$0x3FD0];
	(tm) =	ssettm $0x1  }
0x9: {  	s19 =	sld [smem:$0x3FFB];
	_ =	sdelay $0x3  }
0xa: {  	_ =	strace s19  }
0xb: {  	s3 =	sld [smem:$0x3FFC];
	_ =	sdelay $0x3  }
0xc: {  	_ =	strace s3  }
0xd: {  	s3 =	sld [smem:$0x3FFD];
	_ =	sdelay $0x3  }
0xe: {  	_ =	strace s3  }
0xf: {  	_ =	strace $0x8FFFFFFF  }
0x10: {  	s20 =	sld [smem:$0x3FDB];
	_ =	sdelay $0x1  }
0x11: {  	s4 =	simm.s32 $_scs_section_size  }
0x12: {  	s5 =	simm.s32 $_size__tile_overlayer_lowered;
	s6 =	simm.s32 $_tile_overlayer_lowered  }
0x13: {  	s23 =	simm.s32 $0x1BFF;
	s22 =	sshll.u32 s6, $0x1;
	s3 =	sadd.s32 s4, s20  }
0x14: {  	s7 =	simm.s32 $0x0;
	s21 =	sshll.u32 s5, $0x1;
	s5 =	sadd.s32 s22, s3  }
0x15: {  	[timem:s7], [sflag:s23] =	dma.local [hbm:s5], s21  }
0x16: {  	_ =	swait.ge [sflag:s23], s21  }
0x17: {  	s4 =	ssub.s32 $0x0, s21;
	[sflag:s23] =	ssyncset.done $0x0  }
0x18: {  	[sflag:s23] =	ssyncadd.s32 s4;
	_ =	sdelay $0x1  }
0x19: {  	s24 =	simm.s32 $0x1B8B  }
0x1a: {  	_ =	swait.ge [sflag:s24], $0x1  }
0x1b: {  	[sflag:s24] =	ssyncset.done $0x0  }
0x1c: {  	s26 =	simm.s32 $0x1B8E;
	s25 =	sld [smem:$0x3FFE];
	[sflag:s24] =	ssyncadd.s32 $0xFFFFFFFF  }
0x1d: {  	s27 =	simm.s32 $execute0_lowered;
	[smem:$0x3FD2] =	sst s26  }
0x1e: {  	s5 =	sshll.u32 s27, $0x1;
	_ =	strace $0x80000046;
	[dreg:$0x1] =	wrdreg $0xFFFFFFFF  }
0x1f: {  	s28 =	simm.s32 $_size_execute0_lowered;
	s3 =	sadd.s32 s3, s5;
	[dreg:$0x0] =	wrdreg $0x0  }
0x20: {  	s5 =	sshll.u32 s28, $0x1;
	[dreg:$0x2] =	wrdreg s3  }
0x21: {  	[dreg:$0x3] =	wrdreg s5  }
0x22: {  	[dreg:$0x4] =	wrdreg $0xC0  }
0x23: {  	_ =	task [dreg:s7], $0x5FFFF  }
0x24: {  	[dreg:$0x1] =	wrdreg $0xFFFFFFFF  }
0x25: {  	[dreg:$0x0] =	wrdreg $0x60  }
0x26: {  	[dreg:$0x2] =	wrdreg s2  }
0x27: {  	[dreg:$0x3] =	wrdreg s25  }
0x28: {  	[dreg:$0x4] =	wrdreg $0x9  }
0x29: {  	_ =	task.clear_ibuf [dreg:s7], $0x5FFFF;
	_ =	strace $0x90000046  }
0x2a: {  	s29 =	simm.s32 $0x9;
	_ =	strace $0x80000048  }
0x2b: {  	_ =	swait.ge [sflag:s29], $0x1  }
0x2c: {  	[sflag:s29] =	ssyncadd.s32 $0xFFFFFFFF  }
0x2d: {  	_ =	strace $0x90000048  }
0x2e: {  	_ =	sfence  }
0x2f: {  	s30 =	sld [smem:$0x0];
	_ =	sdelay $0x2  }
0x30: {  	s31 =	sshll.u32 s1, $0xD;
	s1 =	sshrl.u32 s1, $0x2  }
0x31: {  	s3 =	sand.u32 $0x4000, s31;
	s1 =	sadd.s32 s1, s30  }
0x32: {  	s0 =	sor.u32 s3, s0;
	s1 =	sshll.u32 s1, $0x11  }
0x33: {  	s0 =	sor.u32 s1, s0  }
0x34: {  	s0 =	sadd.s32 $0x8F2B, s0  }
0x35: {  	[sflag:s0] =	ssyncadd.remote.s32 $0x1  }
0x36: {  	_ =	sfence.sel $0xFFFF  }
0x37: {  	[dreg:$0x0] =	wrdreg $0xFFFFFFFF;
	(pc) =	sbr.abs _section_cstart, $3  }
0x38: {  	[dreg:$0x1] =	wrdreg $0xFFFFFFFF  }
0x39: {  	_ =	task.clear_ibuf [dreg:s7], $0x2FFFF;
	_ =	strace $0x9FFFFFFF  }
0x3a: {  	(tm) =	ssettm $0x7FFFFFFF  }
0x3b: {  	_ =	shalt  }
tec
execute0_lowered:
.L_overlay_start_1:
0x0: {  	(tag) =	ssettag $0x1  }
0x1: {  	s0 =	stileid.u32;
	s1 =	srdreg.scid  }
0x2: {  	s2 =	sshll.u32 s0, $0x6;
	s1 =	sshll.u32 s1, $0xA  }
0x3: {  	s1 =	sor.u32 s2, s1  }
0x4: {  	s31 =	rddreg [dreg:$0x1];
	s1 =	sand.u32 $0x780, s1  }
0x5: {  	s8 =	simm.s32 $0x2;
	s2 =	sand.u32 $0x1, s0;
	s3 =	ssub.s32 $0x2000, s1  }
0x6: {  	s15 =	simm.s32 $0x0;
	s4 =	ssub.s32 $0x2, s2;
	s5 =	sand.u32 $0x780, s3  }
0x7: {  	s6 =	sshrl.u32 s4, $0x1;
	p0 =	sne.s32 s5, $0x0;
	s5 =	simm.s32 $0x1  }
0x8: {  	s7 =	sand.u32 $0x1, s4;
	s3 =	sshrl.u32 s3, $0xB;
	s5 =	simm.s32 @!p0 $0x0  }
0x9: {  	s9 =	simm.s32 $0x4000;
	s6 =	sadd.s32 s7, s6;
	s3 =	sadd.s32 s5, s3  }
0xa: {  	s10 =	simm.s32 $0x0;
	s16 =	simm.s32 $0x0;
	s6 =	smul.u32 s3, s6  }
.Ltmp0:
0xb: {  	s17 =	simm.s32 $0x0;
	s12 =	simm.s32 $0x0;
	(pc) =	sbr.rel .LBB1_1-.Ltmp0, $4  }
0xc: {  	s14 =	simm.s32 $0x0;
	s4 =	rddreg [dreg:$0x0];
	s5 =	simm.s32 $0x1  }
0xd: {  	s3 =	rddreg [dreg:$0x2];
	_ =	strace $0x80000047;
	s6 =	smul.u32 $0x6, s6  }
0xe: {  	s13 =	smov.u32 s2;
	s11 =	smov.u32 s1;
	[sflag:s5] =	ssyncpa.u1 $0x0  }
0xf: {  	s7 =	sadd.s32 $0x1000, s31;
	[sflag:s8] =	ssyncpa.u1 $0x0;
	s8 =	sor.u32 $0x1, s6  }
.LBB1_4:
0x10: {  	_ =	sdelay $0x3  }
0x11: {  	[tilespmem:v0+s20+$0xFFFFFFA0 ss:$0x1] =	vst.idx.msk $0xffff, v6  }
0x12: {  	v56 =	vld.idx.msk [tilespmem:v1+s19+$0x30 ss:$0x1], $0xffff;
	[tilespmem:v0+s20+$0xFFFFFFB0 ss:$0x1] =	vst.idx.msk $0xffff, v4  }
0x13: {  	v57 =	vld.idx.msk [tilespmem:v1+s19+$0xFFFFFFC0 ss:$0x1], $0xffff;
	[tilespmem:v0+s20+$0xFFFFFFC0 ss:$0x1] =	vst.idx.msk $0xffff, v2  }
0x14: {  	v58 =	vld.idx.msk [tilespmem:v1+s19+$0xFFFFFFD0 ss:$0x1], $0xffff;
	[tilespmem:v0+s20+$0xFFFFFFD0 ss:$0x1] =	vst.idx.msk $0xffff, v3  }
0x15: {  	v59 =	vld.idx.msk [tilespmem:v1+s19+$0xFFFFFFE0 ss:$0x1], $0xffff;
	[tilespmem:v0+s20+$0xFFFFFFE0 ss:$0x1] =	vst.idx.msk $0xffff, v5  }
0x16: {  	v60 =	vld.idx.msk [tilespmem:v1+s19+$0xFFFFFFF0 ss:$0x1], $0xffff;
	[tilespmem:v0+s20+$0xFFFFFFF0 ss:$0x1] =	vst.idx.msk $0xffff, v7  }
0x17: {  	v61 =	vld.idx.msk [tilespmem:v1+s19+$0x0 ss:$0x1], $0xffff;
	[tilespmem:v0+s19+$0x0 ss:$0x1] =	vst.idx.msk $0xffff, v56  }
0x18: {  	v62 =	vld.idx.msk [tilespmem:v1+s19+$0x10 ss:$0x1], $0xffff;
	[tilespmem:v0+s19+$0xFFFFFF90 ss:$0x1] =	vst.idx.msk $0xffff, v57  }
0x19: {  	s17 =	sshll.u32 s17, $0x7;
	v63 =	vld.idx.msk [tilespmem:v1+s19+$0x20 ss:$0x1], $0xffff;
	s28 =	sand.u32 $0x78, s15;
	s21 =	sshll.u32 s15, $0x1;
	[tilespmem:v0+s19+$0xFFFFFFA0 ss:$0x1] =	vst.idx.msk $0xffff, v58  }
0x1a: {  	s16 =	sshll.u32 s16, $0xB;
	s30 =	sshrl.u32 s15, $0x2;
	s17 =	sand.u32 $0x80, s17;
	[tilespmem:v0+s19+$0xFFFFFFB0 ss:$0x1] =	vst.idx.msk $0xffff, v59  }
0x1b: {  	s31 =	sand.u32 $0x7, s15;
	s29 =	sand.u32 $0x1F00, s21;
	s17 =	sor.u32 s17, s28;
	[tilespmem:v0+s19+$0xFFFFFFC0 ss:$0x1] =	vst.idx.msk $0xffff, v60  }
0x1c: {  	s20 =	sand.u32 $0x400, s30;
	s16 =	sadd.s32 s7, s16;
	s17 =	sor.u32 s29, s17;
	[tilespmem:v0+s19+$0xFFFFFFD0 ss:$0x1] =	vst.idx.msk $0xffff, v61  }
0x1d: {  	s15 =	sshll.u32 s31, $0x12;
	s16 =	sadd.s32 s20, s16;
	s17 =	sshrl.u32 s17, $0x3;
	[tilespmem:v0+s19+$0xFFFFFFE0 ss:$0x1] =	vst.idx.msk $0xffff, v62  }
0x1e: {  	s15 =	sor.u32 $0x80, s15;
	[tilespmem:v0+s19+$0xFFFFFFF0 ss:$0x1] =	vst.idx.msk $0xffff, v63;
	s16 =	sadd.s32 s17, s16  }
0x1f: {  	[hbm4b:s16+s15] =	stream.strided.scatter [tilespmem:s18], [sflag:$0x2], $0x4000, s9, s15, $0x38;
	[tilespmem:$0x10000] =	vst v63  }
.LBB1_5:
0x20: {  	s18 =	sadd.s32 $0x800, s11  }
0x21: {  	s15 =	sadd.s32 $0x80, s12;
	s19 =	smov.u32 s12;
	p1 =	sgt.s32 s18, $0x1FFF  }
0x22: {  	s19 =	smov.u32 @p1 s15  }
0x23: {  	s21 =	smov.u32 s13;
	s15 =	sadd.s32 $0x2, s13;
	p2 =	sgt.s32 s19, $0x2FF  }
0x24: {  	s21 =	smov.u32 @p2 s15  }
0x25: {  	s18 =	smov.u32 @p1 s1;
	p1 =	sgt.s32 s21, $0x1  }
0x26: {  	p0 =	slt.u32 s14, $0x2;
	s21 =	smov.u32 @p1 s2;
	p1 =	sne.s32 s14, s8  }
.Ltmp1:
0x27: {  	s20 =	simm.s32 @!p0 $0x2;
	(pc) =	sbr.rel @!p1 .LBB1_6-.Ltmp1, $4  }
0x28: {  	s16 =	smov.u32 s12;
	s17 =	smov.u32 s13;
	_ =	swait.ge @!p0 [sflag:s20], $0x4000  }
0x29: {  	s10 =	sadd.s32 $0x4000, s10;
	[sflag:s20] =	ssyncset.done @!p0 $0x0;
	s19 =	simm.s32 @p2 $0x0  }
0x2a: {  	s15 =	smov.u32 s11;
	[sflag:s20] =	ssyncadd.s32 @!p0 $0xFFFFC000;
	s11 =	smov.u32 s18  }
0x2b: {  	s12 =	smov.u32 s19;
	s14 =	sadd.s32 $0x1, s14;
	s13 =	smov.u32 s21  }
.LBB1_1:
0x2c: {  	p0 =	sge.u32 s14, s6  }
0x2d: {  	s18 =	sshll.u32 @!p0 s12, $0xD  }
0x2e: {  	s19 =	sshll.u32 @!p0 s11, $0x3;
	s18 =	sand.u32 @!p0 $0xFFFF0000, s18  }
0x2f: {  	s18 =	sadd.s32 @!p0 s18, s19  }
0x30: {  	s31 =	sadd.s32 $0xFFFFFFFF, s14;
	s22 =	sshll.u32 @!p0 s12, $0x7;
	s18 =	sshrl.u32 @!p0 s18, $0xD  }
0x31: {  	s23 =	sand.u32 @!p0 $0x78, s11;
	s22 =	sand.u32 @!p0 $0x380, s22;
	s21 =	smulhi.u32 @!p0 $0x555556, s18  }
0x32: {  	s20 =	sxor.u32 @!p0 $0xFFFFFFFF, s14;
	s22 =	sor.u32 @!p0 s22, s23;
	s23 =	smul.u32 @!p0 $0xC0000, s13  }
0x33: {  	s20 =	sshll.u32 @!p0 s20, $0xE;
	s19 =	sand.u32 @!p0 $0x1C00, s19;
	s21 =	smul.u32 @!p0 $0x300, s21  }
0x34: {  	s20 =	sand.u32 @!p0 $0x4000, s20;
	s19 =	sor.u32 @!p0 s19, s22;
	s22 =	sand.u32 @!p0 $0x7, s11  }
0x35: {  	s19 =	sshrl.u32 @!p0 s19, $0x3;
	s18 =	ssub.s32 @!p0 s18, s21;
	s21 =	sadd.s32 @!p0 s4, s23  }
0x36: {  	s18 =	sshll.u32 @!p0 s18, $0xA;
	s19 =	sadd.s32 @!p0 s19, s21;
	s21 =	sshll.u32 @!p0 s22, $0x12  }
0x37: {  	s18 =	sadd.s32 @!p0 s18, s19;
	s19 =	sor.u32 @!p0 $0x400, s21;
	s21 =	simm.s32 @!p0 $0x10000  }
0x38: {  	[tilespmem:s20], [sflag:$0x1] =	stream.strided.gather @!p0 [hbm4b:s18+s19], $0x4000, s21, s19, $0x38;
	[tilespmem:$0x10000] =	vst v63  }
0x39: {  	p0 =	sge.u32 s31, s6  }
.Ltmp2:
0x3a: {  	_ = 	snop;
	(pc) =	sbr.rel @p0 .LBB1_5-.Ltmp2, $1  }
0x3b: {  	_ =	sdelay $0x3  }
0x3c: {  	s18 =	sand.u32 $0x4000, s10  }
0x3d: {  	s19 =	sor.u32 $0x40, s18  }
0x3e: {  	v1 =	vmov s19;
	_ =	sdelay $0x1  }
0x3f: {  	_ =	swait.ge [sflag:s5], $0x4000  }
0x40: {  	[sflag:s5] =	ssyncset.done $0x0  }
0x41: {  	s20 =	simm.s32 $0x0;
	[sflag:s5] =	ssyncadd.s32 $0xFFFFC000  }
0x42: {  	s18 =	sor.u32 $0x8070, s18;
	v7 =	vld.idx.msk [tilespmem:v1+s20+$0x30 ss:$0x1], $0xffff  }
0x43: {  	v0 =	vmov s18;
	v8 =	vld.idx.msk [tilespmem:v1+s20+$0xFFFFFFC0 ss:$0x1], $0xffff  }
0x44: {  	v6 =	vld.idx.msk [tilespmem:v1+s20+$0xFFFFFFD0 ss:$0x1], $0xffff  }
0x45: {  	v4 =	vld.idx.msk [tilespmem:v1+s20+$0xFFFFFFE0 ss:$0x1], $0xffff  }
0x46: {  	v2 =	vld.idx.msk [tilespmem:v1+s20+$0xFFFFFFF0 ss:$0x1], $0xffff  }
0x47: {  	s31 =	sshll.u32 s14, $0xE;
	v3 =	vld.idx.msk [tilespmem:v1+s20+$0x0 ss:$0x1], $0xffff  }
0x48: {  	s18 =	sand.u32 $0x4000, s31;
	v5 =	vld.idx.msk [tilespmem:v1+s20+$0x10 ss:$0x1], $0xffff;
	[tilespmem:v0+s20+$0x0 ss:$0x1] =	vst.idx.msk $0xffff, v7  }
0x49: {  	s21 =	simm.s32 $0x400;
	s19 =	simm.s32 $0x80;
	s18 =	sor.u32 $0x8000, s18;
	[tilespmem:v0+s20+$0xFFFFFF90 ss:$0x1] =	vst.idx.msk $0xffff, v8;
	v7 =	vld.idx.msk [tilespmem:v1+s20+$0x20 ss:$0x1], $0xffff  }
.LBB1_3:
0x4a: {  	p0 =	sne.s32 s21, $0xFE00;
	v8 =	vld.idx.msk [tilespmem:v1+s19+$0x30 ss:$0x1], $0xffff;
	[tilespmem:v0+s20+$0xFFFFFFA0 ss:$0x1] =	vst.idx.msk $0xffff, v6  }
0x4b: {  	v9 =	vld.idx.msk [tilespmem:v1+s19+$0xFFFFFFC0 ss:$0x1], $0xffff;
	[tilespmem:v0+s20+$0xFFFFFFB0 ss:$0x1] =	vst.idx.msk $0xffff, v4  }
0x4c: {  	v6 =	vld.idx.msk [tilespmem:v1+s19+$0xFFFFFFD0 ss:$0x1], $0xffff;
	[tilespmem:v0+s20+$0xFFFFFFC0 ss:$0x1] =	vst.idx.msk $0xffff, v2  }
.Ltmp3:
0x4d: {  	v4 =	vld.idx.msk [tilespmem:v1+s19+$0xFFFFFFE0 ss:$0x1], $0xffff;
	[tilespmem:v0+s20+$0xFFFFFFD0 ss:$0x1] =	vst.idx.msk $0xffff, v3;
	(pc) =	sbr.rel @p0 .LBB1_3-.Ltmp3, $4  }
0x4e: {  	v2 =	vld.idx.msk [tilespmem:v1+s19+$0xFFFFFFF0 ss:$0x1], $0xffff;
	[tilespmem:v0+s20+$0xFFFFFFE0 ss:$0x1] =	vst.idx.msk $0xffff, v5  }
0x4f: {  	v3 =	vld.idx.msk [tilespmem:v1+s19+$0x0 ss:$0x1], $0xffff;
	[tilespmem:v0+s20+$0xFFFFFFF0 ss:$0x1] =	vst.idx.msk $0xffff, v7;
	s20 =	smov.u32 s19  }
0x50: {  	v5 =	vld.idx.msk [tilespmem:v1+s20+$0x10 ss:$0x1], $0xffff;
	[tilespmem:v0+s20+$0x0 ss:$0x1] =	vst.idx.msk $0xffff, v8  }
0x51: {  	s19 =	sshra.s32 s21, $0x2;
	s21 =	sadd.s32 $0x200, s21;
	[tilespmem:v0+s20+$0xFFFFFF90 ss:$0x1] =	vst.idx.msk $0xffff, v9;
	v7 =	vld.idx.msk [tilespmem:v1+s20+$0x20 ss:$0x1], $0xffff  }
.Ltmp4:
0x52: {  	_ = 	snop;
	(pc) =	sbr.rel .LBB1_4-.Ltmp4, $1  }
0x53: {  	_ =	sdelay $0x3  }
.LBB1_6:
0x54: {  	_ =	sfence.sel $0x180000  }
0x55: {  	s1 =	simm.s32 $0x1;
	[bflag:$0x0] =	sbarrier.arrive $0xFFFF  }
0x56: {  	s31 =	simm.s32 $0x2;
	[sflag:s1] =	ssyncpa.u1 $0x1  }
0x57: {  	[sflag:s31] =	ssyncpa.u1 $0x1  }
0x58: {  	p0 =	sne.s32 s0, $0x0;
	_ =	strace $0x90000047  }
0x59: {  	s0 =	sadd.s32 @!p0 $0x100000, s3;
	[bflag:$0x2] =	sbarrier.arrive $0xFFFF  }
0x5a: {  	[sflag:s0] =	ssyncadd.tile.s32 @!p0 $0x1;
	_ =	shalt  }
.Lfunc_end1:
_tile_overlayer_lowered:
.L_overlay_start_2:
0x5b: {  	(tag) =	ssettag $0x2  }
0x5c: {  	s0 =	rddreg [dreg:$0x0];
	s2 =	stileid.u32  }
0x5d: {  	s1 =	rddreg [dreg:$0x1];
	p0 =	sne.s32 s2, $0x0  }
0x5e: {  	s3 =	rddreg [dreg:$0x2];
	[bflag:$0x3] =	sbarrier.arrive $0xFFFF;
	s2 =	simm.s32 @!p0 $0x1C01  }
0x5f: {  	[timem:s3], [sflag:s2] =	dma.local @!p0 [hbm:s0], s1  }
0x60: {  	s0 =	simm.s32 @!p0 $0x1  }
0x61: {  	_ =	swait.ge @!p0 [sflag:s0], s1  }
0x62: {  	s1 =	ssub.s32 @!p0 $0x0, s1;
	[sflag:s0] =	ssyncset.done @!p0 $0x0  }
0x63: {  	[sflag:s0] =	ssyncadd.s32 @!p0 s1  }
0x64: {  	[bflag:$0x3] =	sbarrier.arrive $0xFFFF  }
0x65: {  	_ =	shalt  }

// kernel: sparse-core-data-format-call.cloned.1.call-start
scs
called_computation_lowered:
.L_overlay_start_0:
0x0: {  	s2 =	sld [smem:$0x3FD9]  }
0x1: {  	s3 =	sld [smem:$0x3FFE];
	_ =	sdelay $0x1  }
0x2: {  	s1 =	srdreg.scid  }
0x3: {  	s0 =	sand.u32 $0x1, s1  }
0x4: {  	s18 =	sshll.u32 s0, $0xA;
	s2 =	sadd.s32 s3, s2  }
0x5: {  	s2 =	sadd.s32 s2, s18  }
0x6: {  	[smem:$0x3FC5] =	sst s2  }
0x7: {  	_ = 	snop  }
0x8: {  	s2 =	sld [smem:$0x3FD0];
	(tm) =	ssettm $0x1  }
0x9: {  	s19 =	sld [smem:$0x3FFB];
	_ =	sdelay $0x3  }
0xa: {  	_ =	strace s19  }
0xb: {  	s3 =	sld [smem:$0x3FFC];
	_ =	sdelay $0x3  }
0xc: {  	_ =	strace s3  }
0xd: {  	s3 =	sld [smem:$0x3FFD];
	_ =	sdelay $0x3  }
0xe: {  	_ =	strace s3  }
0xf: {  	_ =	strace $0x8FFFFFFF  }
0x10: {  	s20 =	sld [smem:$0x3FDB];
	_ =	sdelay $0x1  }
0x11: {  	s4 =	simm.s32 $_scs_section_size  }
0x12: {  	s5 =	simm.s32 $_size__tile_overlayer_lowered;
	s6 =	simm.s32 $_tile_overlayer_lowered  }
0x13: {  	s23 =	simm.s32 $0x1BFF;
	s22 =	sshll.u32 s6, $0x1;
	s3 =	sadd.s32 s4, s20  }
0x14: {  	s7 =	simm.s32 $0x0;
	s21 =	sshll.u32 s5, $0x1;
	s5 =	sadd.s32 s22, s3  }
0x15: {  	[timem:s7], [sflag:s23] =	dma.local [hbm:s5], s21  }
0x16: {  	_ =	swait.ge [sflag:s23], s21  }
0x17: {  	s4 =	ssub.s32 $0x0, s21;
	[sflag:s23] =	ssyncset.done $0x0  }
0x18: {  	[sflag:s23] =	ssyncadd.s32 s4;
	_ =	sdelay $0x1  }
0x19: {  	s24 =	simm.s32 $0x1B8B  }
0x1a: {  	_ =	swait.ge [sflag:s24], $0x1  }
0x1b: {  	[sflag:s24] =	ssyncset.done $0x0  }
0x1c: {  	s26 =	simm.s32 $0x1B8E;
	s25 =	sld [smem:$0x3FFE];
	[sflag:s24] =	ssyncadd.s32 $0xFFFFFFFF  }
0x1d: {  	s27 =	simm.s32 $execute0_lowered;
	[smem:$0x3FD2] =	sst s26  }
0x1e: {  	s5 =	sshll.u32 s27, $0x1;
	_ =	strace $0x8000004F;
	[dreg:$0x1] =	wrdreg $0xFFFFFFFF  }
0x1f: {  	s28 =	simm.s32 $_size_execute0_lowered;
	s3 =	sadd.s32 s3, s5;
	[dreg:$0x0] =	wrdreg $0x0  }
0x20: {  	s5 =	sshll.u32 s28, $0x1;
	[dreg:$0x2] =	wrdreg s3  }
0x21: {  	[dreg:$0x3] =	wrdreg s5  }
0x22: {  	[dreg:$0x4] =	wrdreg $0xC0  }
0x23: {  	_ =	task [dreg:s7], $0x5FFFF  }
0x24: {  	[dreg:$0x1] =	wrdreg $0xFFFFFFFF  }
0x25: {  	[dreg:$0x0] =	wrdreg $0x60  }
0x26: {  	[dreg:$0x2] =	wrdreg s25  }
0x27: {  	[dreg:$0x3] =	wrdreg s2  }
0x28: {  	[dreg:$0x4] =	wrdreg $0x9  }
0x29: {  	_ =	task.clear_ibuf [dreg:s7], $0x5FFFF;
	_ =	strace $0x9000004F  }
0x2a: {  	s29 =	simm.s32 $0x9;
	_ =	strace $0x80000051  }
0x2b: {  	_ =	swait.ge [sflag:s29], $0x1  }
0x2c: {  	[sflag:s29] =	ssyncadd.s32 $0xFFFFFFFF  }
0x2d: {  	_ =	strace $0x90000051  }
0x2e: {  	_ =	sfence  }
0x2f: {  	s30 =	sld [smem:$0x0];
	_ =	sdelay $0x2  }
0x30: {  	s31 =	sshll.u32 s1, $0xD;
	s1 =	sshrl.u32 s1, $0x2  }
0x31: {  	s3 =	sand.u32 $0x4000, s31;
	s1 =	sadd.s32 s1, s30  }
0x32: {  	s0 =	sor.u32 s3, s0;
	s1 =	sshll.u32 s1, $0x11  }
0x33: {  	s0 =	sor.u32 s1, s0  }
0x34: {  	s0 =	sadd.s32 $0x8F2B, s0  }
0x35: {  	[sflag:s0] =	ssyncadd.remote.s32 $0x1  }
0x36: {  	_ =	sfence.sel $0xFFFF  }
0x37: {  	[dreg:$0x0] =	wrdreg $0xFFFFFFFF;
	(pc) =	sbr.abs _section_cstart, $3  }
0x38: {  	[dreg:$0x1] =	wrdreg $0xFFFFFFFF  }
0x39: {  	_ =	task.clear_ibuf [dreg:s7], $0x2FFFF;
	_ =	strace $0x9FFFFFFF  }
0x3a: {  	(tm) =	ssettm $0x7FFFFFFF  }
0x3b: {  	_ =	shalt  }
tec
execute0_lowered:
.L_overlay_start_1:
0x0: {  	(tag) =	ssettag $0x1  }
0x1: {  	s1 =	rddreg [dreg:$0x0]  }
0x2: {  	s2 =	rddreg [dreg:$0x1]  }
0x3: {  	s0 =	rddreg [dreg:$0x2]  }
0x4: {  	s4 =	srdreg.scid;
	_ =	strace $0x80000050;
	s6 =	simm.s32 $0x2  }
0x5: {  	s12 =	simm.s32 $0x0;
	p0 =	por $0x0, $0x0;
	s13 =	simm.s32 $0x0  }
.Ltmp0:
0x6: {  	s8 =	simm.s32 $0x0;
	s9 =	simm.s32 $0x0;
	(pc) =	sbr.rel .LBB1_1-.Ltmp0, $4  }
0x7: {  	s10 =	simm.s32 $0x0;
	s3 =	sadd.s32 $0x1000, s1;
	s4 =	sshll.u32 s4, $0x4  }
0x8: {  	s1 =	stileid.u32;
	s5 =	sand.u32 $0x10, s4;
	s4 =	simm.s32 $0x1  }
0x9: {  	s7 =	simm.s32 $0x0;
	s5 =	sor.u32 s1, s5;
	[sflag:s4] =	ssyncpa.u1 $0x0  }
0xa: {  	[sflag:s6] =	ssyncpa.u1 $0x0;
	s6 =	simm.s32 $0x1000;
	s11 =	smov.u32 s5  }
.LBB1_5:
0xb: {  	p1 =	slt.u32 s7, $0x2  }
0xc: {  	s15 =	smov.u32 s13;
	p2 =	sgt.s32 @!p1 s13, $0x1FF;
	s14 =	sshra.s32 @!p1 s13, $0x1F  }
0xd: {  	p3 =	sgt.s32 @!p1 s12, $0x180;
	s16 =	sshra.s32 @!p1 s12, $0x1F;
	p2 =	por !p2, p1  }
0xe: {  	s13 =	sand.u32 @!p1 s14, s13;
	p3 =	por !p3, p1;
	s14 =	smov.u32 s12  }
0xf: {  	s12 =	sand.u32 @!p1 s16, s12;
	s15 =	simm.s32 @p2 $0x1FF;
	s14 =	simm.s32 @p3 $0x180  }
0x10: {  	s16 =	smov.u32 s11;
	s13 =	ssub.s32 @!p1 s15, s13;
	s12 =	ssub.s32 @!p1 s14, s12  }
0x11: {  	s14 =	sadd.s32 @!p1 $0xFFFFFE01, s13;
	s13 =	ssub.s32 @!p1 $0x200, s13;
	s15 =	sadd.s32 @!p1 $0xFFFFFE80, s12  }
0x12: {  	p2 =	sgt.s32 @!p1 s14, $0x0;
	s13 =	smul.u32 @!p1 $0x60, s13;
	p3 =	sgt.s32 @!p1 s15, $0x7F  }
0x13: {  	s12 =	ssub.s32 @!p1 $0x200, s12;
	p2 =	por !p2, p1;
	p3 =	por !p3, p1  }
0x14: {  	s14 =	sadd.s32 $0x80, s10;
	s13 =	simm.s32 @!p2 $0x0;
	s12 =	simm.s32 @!p3 $0x0  }
0x15: {  	p2 =	sgt.s32 s14, $0x1FF;
	s12 =	smul.u32 @!p1 s12, s13;
	s13 =	sadd.s32 $0x20, s11  }
0x16: {  	s16 =	smov.u32 @p2 s13  }
0x17: {  	s7 =	sadd.s32 $0x1, s7;
	s14 =	simm.s32 @p2 $0x0;
	p2 =	sgt.s32 s16, $0x1FF  }
0x18: {  	s16 =	smov.u32 @p2 s5;
	p2 =	sne.s32 s7, $0x42  }
.Ltmp1:
0x19: {  	p0 =	por !p0, !p0;
	(pc) =	sbr.rel @!p2 .LBB1_6-.Ltmp1, $4  }
0x1a: {  	s15 =	simm.s32 @!p1 $0x2;
	s13 =	smov.u32 s9;
	s12 =	sand.u32 @!p1 $0x3FFFFFE0, s12  }
0x1b: {  	s9 =	smov.u32 s11;
	_ =	swait.ge @!p1 [sflag:s15], s12;
	s17 =	ssub.s32 @!p1 $0x0, s12  }
0x1c: {  	s12 =	smov.u32 s8;
	s8 =	smov.u32 s10;
	[sflag:s15] =	ssyncset.done @!p1 $0x0  }
0x1d: {  	s10 =	smov.u32 s14;
	s11 =	smov.u32 s16;
	[sflag:s15] =	ssyncadd.s32 @!p1 s17  }
.LBB1_1:
0x1e: {  	p1 =	sgt.u32 s7, $0x3F  }
0x1f: {  	s14 =	sxor.u32 @!p1 $0xFFFFFFFF, s7;
	s15 =	sshll.u32 @!p1 s11, $0xD;
	s16 =	sshll.u32 @!p1 s10, $0x4  }
0x20: {  	s14 =	sshll.u32 @!p1 s14, $0xE;
	s16 =	sand.u32 @!p1 $0x1FF0, s16;
	s15 =	sadd.s32 @!p1 s3, s15  }
0x21: {  	s14 =	sand.u32 @!p1 $0x4000, s14;
	s15 =	sadd.s32 @!p1 s16, s15;
	s16 =	simm.s32 @!p1 $0x0  }
0x22: {  	[tilespmem:s14], [sflag:$0x1] =	stream.linear.gather @!p1 [hbm4b:s15+s16], $0x4000, $0x38;
	[tilespmem:$0x10100] =	vst v63  }
0x23: {  	p1 =	seq.s32 s7, $0x0  }
0x24: {  	p2 =	seq.s32 @!p1 s7, $0x41  }
0x25: {  	p1 =	por p1, p2  }
.Ltmp2:
0x26: {  	_ = 	snop;
	(pc) =	sbr.rel @p1 .LBB1_5-.Ltmp2, $1  }
0x27: {  	_ =	sdelay $0x3  }
0x28: {  	s14 =	simm.s32 $0x1  }
0x29: {  	_ =	swait.ge [sflag:s4], $0x4000;
	s14 =	simm.s32 @!p0 $0x0  }
0x2a: {  	[sflag:s4] =	ssyncset.done $0x0;
	s15 =	sshll.u32 s14, $0xE  }
0x2b: {  	[sflag:s4] =	ssyncadd.s32 $0xFFFFC000;
	s15 =	sor.u32 $0x40, s15  }
0x2c: {  	s14 =	smul.u32 $0x10200, s14;
	v0 =	vld [tilespmem:s15+$0x30]  }
0x2d: {  	v1 =	vld [tilespmem:s15+$0xFFFFFFD0]  }
0x2e: {  	s14 =	sshrl.u32 s14, $0x2;
	v5 =	vld [tilespmem:s15+$0xFFFFFFE0]  }
0x2f: {  	v6 =	vld [tilespmem:s15+$0xFFFFFFF0];
	s17 =	sor.u32 $0x8000, s14  }
0x30: {  	s31 =	sand.u32 $0x1, s7;
	v4 =	vld [tilespmem:s15+$0x0];
	s16 =	sadd.s32 $0x0, s17  }
0x31: {  	v3 =	vld [tilespmem:s15+$0x10];
	s14 =	smul.u32 $0x10200, s31;
	[tilespmem:s16+$0x3870 ss:$0x81] =	vst.msk $0xffff, v0  }
0x32: {  	v2 =	vld [tilespmem:s15+$0x20];
	[tilespmem:s16+$0x810 ss:$0x81] =	vst.msk $0xffff, v1  }
0x33: {  	s14 =	sshrl.u32 s14, $0x2;
	v1 =	vld [tilespmem:s15+$0xFFFFFFC0];
	[tilespmem:s16+$0x1020 ss:$0x81] =	vst.msk $0xffff, v5;
	s15 =	sadd.s32 $0x80, s15  }
0x34: {  	s18 =	simm.s32 $0x4;
	s19 =	simm.s32 $0x8;
	s14 =	sor.u32 $0x8000, s14;
	[tilespmem:s16+$0x1830 ss:$0x81] =	vst.msk $0xffff, v6;
	v0 =	vld [tilespmem:s15+$0x30]  }
.LBB1_3:
0x35: {  	p1 =	sne.s32 s19, $0x1FC;
	v5 =	vld [tilespmem:s15+$0xFFFFFFD0];
	[tilespmem:s16+$0x2040 ss:$0x81] =	vst.msk $0xffff, v4  }
0x36: {  	v6 =	vld [tilespmem:s15+$0xFFFFFFE0];
	[tilespmem:s16+$0x2850 ss:$0x81] =	vst.msk $0xffff, v3  }
0x37: {  	s20 =	sshra.s32 s18, $0x2;
	s18 =	smov.u32 s19;
	v7 =	vld [tilespmem:s15+$0xFFFFFFF0];
	[tilespmem:s16+$0x3060 ss:$0x81] =	vst.msk $0xffff, v2  }
.Ltmp3:
0x38: {  	v4 =	vld [tilespmem:s15+$0x0];
	[tilespmem:s16+$0x0 ss:$0x81] =	vst.msk $0xffff, v1;
	s16 =	sadd.s32 s20, s17;
	(pc) =	sbr.rel @p1 .LBB1_3-.Ltmp3, $4  }
0x39: {  	v3 =	vld [tilespmem:s15+$0x10];
	[tilespmem:s16+$0x3870 ss:$0x81] =	vst.msk $0xffff, v0  }
0x3a: {  	[tilespmem:s16+$0x810 ss:$0x81] =	vst.msk $0xffff, v5;
	v2 =	vld [tilespmem:s15+$0x20]  }
0x3b: {  	v1 =	vld [tilespmem:s15+$0xFFFFFFC0];
	[tilespmem:s16+$0x1020 ss:$0x81] =	vst.msk $0xffff, v6;
	s15 =	sadd.s32 $0x80, s15  }
0x3c: {  	s19 =	sadd.s32 $0x4, s19;
	v0 =	vld [tilespmem:s15+$0x30];
	[tilespmem:s16+$0x1830 ss:$0x81] =	vst.msk $0xffff, v7  }
0x3d: {  	s18 =	sshra.s32 s18, $0x2;
	s24 =	sshrl.u32 s8, $0x6  }
0x3e: {  	v5 =	vld [tilespmem:s15+$0xFFFFFFD0];
	p1 =	sgt.s32 s9, $0x1FF;
	s19 =	smov.u32 s9;
	s20 =	sshra.s32 s9, $0x1F  }
0x3f: {  	[tilespmem:s16+$0x2040 ss:$0x81] =	vst.msk $0xffff, v4;
	v58 =	vld [tilespmem:s15+$0xFFFFFFE0];
	s22 =	sshra.s32 s8, $0x1F;
	s27 =	smul.u32 $0x1800, s9;
	s28 =	sshrl.u32 s8, $0x3  }
0x40: {  	v59 =	vld [tilespmem:s15+$0xFFFFFFF0];
	s29 =	sand.u32 $0x7, s8;
	s17 =	sadd.s32 s18, s17;
	s18 =	sand.u32 $0x7FFFFE, s24;
	[tilespmem:s16+$0x2850 ss:$0x81] =	vst.msk $0xffff, v3  }
0x41: {  	v60 =	vld [tilespmem:s15+$0x0];
	s19 =	simm.s32 @!p1 $0x1FF;
	s20 =	sand.u32 s20, s9;
	p1 =	sgt.s32 s8, $0x180;
	[tilespmem:s16+$0x3060 ss:$0x81] =	vst.msk $0xffff, v2  }
0x42: {  	v61 =	vld [tilespmem:s15+$0x10];
	s22 =	sand.u32 s22, s8;
	s19 =	ssub.s32 s19, s20;
	s20 =	smov.u32 s8;
	[tilespmem:s16+$0x0 ss:$0x81] =	vst.msk $0xffff, v1  }
0x43: {  	s21 =	smulhi.u32 $0x2AAAAAB, s18;
	s25 =	ssub.s32 $0x200, s19;
	s20 =	simm.s32 @!p1 $0x180;
	[tilespmem:s17+$0x3870 ss:$0x81] =	vst.msk $0xffff, v0  }
0x44: {  	v62 =	vld [tilespmem:s15+$0x20];
	s19 =	sadd.s32 $0xFFFFFE01, s19;
	s20 =	ssub.s32 s20, s22;
	s16 =	smul.u32 $0x60, s25;
	[tilespmem:s17+$0x810 ss:$0x81] =	vst.msk $0xffff, v5  }
0x45: {  	v63 =	vld [tilespmem:s15+$0xFFFFFFC0];
	s21 =	smul.u32 $0x60, s21;
	p1 =	sgt.s32 s19, $0x0;
	s26 =	sadd.s32 $0xFFFFFE80, s20;
	[tilespmem:s17+$0x1020 ss:$0x81] =	vst.msk $0xffff, v58  }
0x46: {  	s15 =	ssub.s32 $0x200, s20;
	[tilespmem:s17+$0x1830 ss:$0x81] =	vst.msk $0xffff, v59;
	s16 =	simm.s32 @p1 $0x0;
	p1 =	sgt.s32 s26, $0x7F  }
.Ltmp4:
0x47: {  	s19 =	sadd.s32 s2, s27;
	[tilespmem:s17+$0x2040 ss:$0x81] =	vst.msk $0xffff, v60;
	s15 =	simm.s32 @p1 $0x0;
	(pc) =	sbr.rel .LBB1_5-.Ltmp4, $4  }
0x48: {  	[tilespmem:s17+$0x2850 ss:$0x81] =	vst.msk $0xffff, v61;
	s18 =	ssub.s32 s18, s21;
	s15 =	smul.u32 s15, s16;
	s16 =	sand.u32 $0xF, s28  }
0x49: {  	s30 =	sshll.u32 s29, $0x12;
	[tilespmem:s17+$0x3060 ss:$0x81] =	vst.msk $0xffff, v62;
	s18 =	sshll.u32 s18, $0x6;
	s16 =	sadd.s32 s16, s19  }
0x4a: {  	s31 =	sor.u32 $0x400, s30;
	[tilespmem:s17+$0x0 ss:$0x81] =	vst.msk $0xffff, v63;
	s15 =	sand.u32 $0x3FFFFFE0, s15;
	s16 =	sadd.s32 s18, s16  }
0x4b: {  	[hbm4b:s16+s31] =	stream.strided.scatter [tilespmem:s14], [sflag:$0x2], s15, s6, s31, $0x20;
	[tilespmem:$0x10100] =	vst v63  }
.LBB1_6:
0x4c: {  	_ =	sfence.sel $0x180000  }
0x4d: {  	s2 =	simm.s32 $0x1;
	[bflag:$0x0] =	sbarrier.arrive $0xFFFF  }
0x4e: {  	s31 =	simm.s32 $0x2;
	[sflag:s2] =	ssyncpa.u1 $0x1  }
0x4f: {  	[sflag:s31] =	ssyncpa.u1 $0x1  }
0x50: {  	p0 =	sne.s32 s1, $0x0;
	_ =	strace $0x90000050  }
0x51: {  	s0 =	sadd.s32 @!p0 $0x100000, s0;
	[bflag:$0x2] =	sbarrier.arrive $0xFFFF  }
0x52: {  	[sflag:s0] =	ssyncadd.tile.s32 @!p0 $0x1;
	_ =	shalt  }
.Lfunc_end1:
_tile_overlayer_lowered:
.L_overlay_start_2:
0x53: {  	(tag) =	ssettag $0x2  }
0x54: {  	s0 =	rddreg [dreg:$0x0];
	s2 =	stileid.u32  }
0x55: {  	s1 =	rddreg [dreg:$0x1];
	p0 =	sne.s32 s2, $0x0  }
0x56: {  	s3 =	rddreg [dreg:$0x2];
	[bflag:$0x3] =	sbarrier.arrive $0xFFFF;
	s2 =	simm.s32 @!p0 $0x1C01  }
0x57: {  	[timem:s3], [sflag:s2] =	dma.local @!p0 [hbm:s0], s1  }
0x58: {  	s0 =	simm.s32 @!p0 $0x1  }
0x59: {  	_ =	swait.ge @!p0 [sflag:s0], s1  }
0x5a: {  	s1 =	ssub.s32 @!p0 $0x0, s1;
	[sflag:s0] =	ssyncset.done @!p0 $0x0  }
0x5b: {  	[sflag:s0] =	ssyncadd.s32 @!p0 s1  }
0x5c: {  	[bflag:$0x3] =	sbarrier.arrive $0xFFFF  }
0x5d: {  	_ =	shalt  }

</sc_bundles>
